<compile_context>
chip_gen: v7x
topology: tpu7x:2x2x1
jax: 0.10.2.dev20260603
libtpu: 0.0.44.dev20260713+nightly
codegen_flags: <defaults>
</compile_context>

<pallas_src>
import jax
import jax.numpy as jnp
from jax import lax
from jax.experimental import pallas as pl
from jax.experimental.pallas import tpu as pltpu
from jax.experimental.pallas import tpu_sc as plsc

_N = 5000
_C = 81
_M = 28
_P = _M * _M
_NC = 2
_NS = 16
_NW = _NC * _NS
_CW = 128

_SCW = 16
_SCCOLS = _SCW * _CW
_TCCOLS = _N - _SCCOLS
_CWT = 512
_TCB = (_TCCOLS + _CWT - 1) // _CWT

_PG = 7
_PPG = _P // _PG
_NU = _SCW * _PG
_UPW = (_NU + _NW - 1) // _NW
_NBUF = 6


def _sigmoid(v):
    return 1.0 / (1.0 + jnp.exp(-v))


def _sc_body(x_hbm, lab_hbm, out_hbm, lab_v, *rest):
    abufs = rest[:_NBUF]
    obuf = rest[_NBUF]
    gsem, osem = rest[_NBUF + 1], rest[_NBUF + 2]
    wid = lax.axis_index("s") * _NC + lax.axis_index("c")
    iot = lax.iota(jnp.int32, 16)

    def unit_body(u, carry):
        unit = wid + u * _NW

        @pl.when(unit < _NU)
        def _():
            cc = unit % _SCW
            pg = unit // _SCW
            col0 = pl.multiple_of(cc * _CW, _CW)
            p0 = pl.multiple_of(pg * _PPG, _PPG)
            pltpu.sync_copy(lab_hbm.at[pl.ds(col0, _CW)], lab_v)

            def fetch(pp, buf):
                pltpu.async_copy(x_hbm.at[p0 + pp, :, pl.ds(col0, _CW)],
                                 buf, gsem)

            def wait_fetch(buf):
                pltpu.make_async_copy(x_hbm.at[0, :, pl.ds(0, _CW)],
                                      buf, gsem).wait()

            for pr in range(_NBUF - 1):
                fetch(pr, abufs[pr])

            def plane_body(pp, c2):
                def run(h):
                    buf = abufs[h]
                    wait_fetch(buf)

                    @pl.when(pp + _NBUF - 1 < _PPG)
                    def _():
                        fetch(pp + _NBUF - 1, abufs[(h + _NBUF - 1) % _NBUF])

                    for g in range(_CW // 16):
                        rows = lab_v[pl.ds(g * 16, 16)]
                        cols = g * 16 + iot
                        v = plsc.load_gather(buf, [rows, cols])
                        obuf[pp, pl.ds(g * 16, 16)] = _sigmoid(v)

                for h in range(_NBUF):
                    @pl.when(pp % _NBUF == h)
                    def _(h=h):
                        run(h)

                return c2

            lax.fori_loop(0, _PPG, plane_body, 0)
            pltpu.async_copy(obuf,
                             out_hbm.at[pl.ds(p0, _PPG), pl.ds(col0, _CW)],
                             osem)
            pltpu.make_async_copy(obuf,
                                  out_hbm.at[pl.ds(0, _PPG), pl.ds(0, _CW)],
                                  osem).wait()

        return carry

    lax.fori_loop(0, _UPW, unit_body, 0)


def _tc_body(lab_ref, x_ref, o_ref):
    lab = lab_ref[0]
    iota_c = lax.broadcasted_iota(jnp.int32, (_C, _CWT), 0)
    mask = (lab[None, :] == iota_c).astype(jnp.float32)
    sel = jnp.sum(x_ref[0] * mask[None], axis=1)
    o_ref[0] = _sigmoid(sel)


def kernel(x, labels):
    lab32 = labels.astype(jnp.int32)
    xt4 = jnp.transpose(x, (2, 3, 1, 0))
    xt3 = xt4.reshape(_P, _C, _N)
    mesh = plsc.VectorSubcoreMesh(core_axis_name="c", subcore_axis_name="s")
    sck = pl.kernel(
        _sc_body,
        out_type=jax.ShapeDtypeStruct((_P, _SCCOLS), jnp.float32),
        mesh=mesh,
        compiler_params=pltpu.CompilerParams(needs_layout_passes=False),
        scratch_types=[pltpu.VMEM((_CW,), jnp.int32)]
        + [pltpu.VMEM((_C, _CW), jnp.float32) for _ in range(_NBUF)]
        + [pltpu.VMEM((_PPG, _CW), jnp.float32),
           pltpu.SemaphoreType.DMA, pltpu.SemaphoreType.DMA],
    )
    out_sc = sck(xt3, lab32)

    lab2d = lab32[None, :]
    out_tc = pl.pallas_call(
        _tc_body,
        grid=(_M, _TCB),
        in_specs=[
            pl.BlockSpec((1, _CWT), lambda a, j: (0, _SCCOLS // _CWT + j)),
            pl.BlockSpec((1, _M, _C, _CWT),
                         lambda a, j: (a, 0, 0, _SCCOLS // _CWT + j)),
        ],
        out_specs=pl.BlockSpec((1, _M, _CWT), lambda a, j: (a, 0, j)),
        out_shape=jax.ShapeDtypeStruct((_M, _M, _TCB * _CWT), jnp.float32),
    )(lab2d, xt4)

    main_sc = jnp.transpose(out_sc.reshape(_M, _M, _SCCOLS), (2, 0, 1))
    main_tc = jnp.transpose(out_tc[:, :, :_TCCOLS], (2, 0, 1))
    out = jnp.concatenate([main_sc, main_tc], axis=0)
    return out[:, None]

# --- scband reference (transcript-rebuilt; emitter-appended) ---
"""Pipeline reference for scband-mask-post-processor-60997125538024 (READ-ONLY COPY).

The authoritative reference and input builder live on the scoring server;
editing this copy changes nothing except your own understanding.
"""

import jax, jax.numpy as jnp
import numpy as np

N = 5000
C = 81
M = 28

def setup_inputs(seed: int = 0) -> dict:
    key = jax.random.key(seed)
    k1, k2 = jax.random.split(key)
    x = jax.random.normal(k1, (N, C, M, M), dtype=jnp.float32)
    labels = jax.random.randint(k2, (N,), 0, C, dtype=jnp.int64)
    return {"x": x, "labels": labels}

def reference(x, labels):
    # mask_prob = x.sigmoid()
    mask_prob = jax.nn.sigmoid(x)
    num_masks = x.shape[0]
    # index = torch.arange(num_masks); mask_prob = mask_prob[index, labels][:, None]
    index = jnp.arange(num_masks)
    selected = mask_prob[index, labels][:, None]  # [N, 1, M, M]
    # masker is None; per-image split is a view-level partition of the same
    # tensor (boxes_per_image), so the dense computation is `selected`.
    return selected

if __name__ == "__main__":
    import jax
    _d = setup_inputs()
    print(jax.jit(kernel)(*tuple(_d.values())))

</pallas_src>

<mosaic_0001>
#map = affine_map<(d0, d1) -> (0, 0, 0)>
#map1 = affine_map<(d0, d1) -> (0)>
#map2 = affine_map<(d0, d1) -> (0, 0)>
module attributes {stable_mosaic.version = 14 : i64} {
  func.func @_sc_body(%arg0: i32, %arg1: i32, %arg2: memref<784x81x5000xf32, #tpu.memory_space<hbm>>, %arg3: memref<5000xi32, #tpu.memory_space<hbm>>, %arg4: memref<784x2048xf32, #tpu.memory_space<hbm>>, %arg5: memref<128xi32, #tpu.memory_space<vmem>>, %arg6: memref<81x128xf32, #tpu.memory_space<vmem>>, %arg7: memref<81x128xf32, #tpu.memory_space<vmem>>, %arg8: memref<81x128xf32, #tpu.memory_space<vmem>>, %arg9: memref<81x128xf32, #tpu.memory_space<vmem>>, %arg10: memref<81x128xf32, #tpu.memory_space<vmem>>, %arg11: memref<81x128xf32, #tpu.memory_space<vmem>>, %arg12: memref<112x128xf32, #tpu.memory_space<vmem>>, %arg13: memref<!tpu.dma_semaphore, #tpu.memory_space<semaphore_mem>>, %arg14: memref<!tpu.dma_semaphore, #tpu.memory_space<semaphore_mem>>) attributes {dimension_semantics = [#tpu.dimension_semantics<core_parallel>, #tpu.dimension_semantics<subcore_parallel>], iteration_bounds = array<i64: 2, 16>, scalar_prefetch = 0 : i64, scratch_operands = 10 : i64, tpu.core_type = #tpu.core_type<sc_vector_subcore>, window_params = [{transform_indices = #map}, {transform_indices = #map1}, {transform_indices = #map2}]} {
    %mul3A = arith.constant 2 : i32
    %mul3A_0 = arith.muli %arg1, %mul3A : i32
    %add3A = arith.addi %mul3A_0, %arg0 : i32
    %iota3A = tpu.iota {dimensions = array<i32: 0>} : vector<16xi32>
    %scan3A = arith.constant 0 : i32
    %scan3A_1 = arith.constant 0 : i32
    %scan3A_2 = arith.constant 4 : i32
    %scan3A_3 = arith.addi %scan3A_1, %scan3A_2 : i32
    %scan3A_4 = arith.constant 1 : i32
    scf.for %scan3A_6 = %scan3A_1 to %scan3A_3 step %scan3A_4  : i32 {
      %mul3A_7 = arith.constant 32 : i32
      %mul3A_8 = arith.muli %scan3A_6, %mul3A_7 : i32
      %add3A_9 = arith.addi %add3A, %mul3A_8 : i32
      %lt3A = arith.constant 112 : i32
      %lt3A_10 = arith.cmpi slt, %add3A_9, %lt3A : i32
      %convert_element_type3A = arith.extui %lt3A_10 : i1 to i32
      %cond3A = arith.constant 0 : i32
      %cond3A_11 = arith.cmpi ne, %convert_element_type3A, %cond3A : i32
      scf.if %cond3A_11 {
        %jit3A = arith.constant 16 : i32
        %eq3A = arith.constant 0 : i32
        %eq3A_12 = arith.cmpi eq, %jit3A, %eq3A : i32
        %jit3A_13 = arith.constant 1 : i32
        %select_n3A = arith.select %eq3A_12, %jit3A_13, %jit3A : i32
        %rem3A = arith.remsi %add3A_9, %select_n3A : i32
        %ne3A = arith.constant 0 : i32
        %ne3A_14 = arith.cmpi ne, %rem3A, %ne3A : i32
        %lt3A_15 = arith.constant 0 : i32
        %lt3A_16 = arith.cmpi slt, %rem3A, %lt3A_15 : i32
        %lt3A_17 = arith.constant 0 : i32
        %lt3A_18 = arith.cmpi slt, %select_n3A, %lt3A_17 : i32
        %ne3A_19 = arith.xori %lt3A_16, %lt3A_18 : i1
        %and3A = arith.andi %ne3A_19, %ne3A_14 : i1
        %add3A_20 = arith.addi %rem3A, %select_n3A : i32
        %select_n3A_21 = arith.select %and3A, %add3A_20, %rem3A : i32
        %jit3A_22 = arith.constant 16 : i32
        %div3A = arith.divsi %add3A_9, %jit3A_22 : i32
        %sign3A = arith.constant 0 : i32
        %sign3A_23 = arith.cmpi sgt, %add3A_9, %sign3A : i32
        %sign3A_24 = arith.extui %sign3A_23 : i1 to i32
        %sign3A_25 = arith.constant 0 : i32
        %sign3A_26 = arith.cmpi slt, %add3A_9, %sign3A_25 : i32
        %sign3A_27 = arith.extui %sign3A_26 : i1 to i32
        %sign3A_28 = arith.subi %sign3A_24, %sign3A_27 : i32
        %sign3A_29 = arith.constant 0 : i32
        %sign3A_30 = arith.cmpi sgt, %jit3A_22, %sign3A_29 : i32
        %sign3A_31 = arith.extui %sign3A_30 : i1 to i32
        %sign3A_32 = arith.constant 0 : i32
        %sign3A_33 = arith.cmpi slt, %jit3A_22, %sign3A_32 : i32
        %sign3A_34 = arith.extui %sign3A_33 : i1 to i32
        %sign3A_35 = arith.subi %sign3A_31, %sign3A_34 : i32
        %ne3A_36 = arith.cmpi ne, %sign3A_28, %sign3A_35 : i32
        %rem3A_37 = arith.remsi %add3A_9, %jit3A_22 : i32
        %ne3A_38 = arith.constant 0 : i32
        %ne3A_39 = arith.cmpi ne, %rem3A_37, %ne3A_38 : i32
        %and3A_40 = arith.andi %ne3A_36, %ne3A_39 : i1
        %sub3A = arith.constant 1 : i32
        %sub3A_41 = arith.subi %div3A, %sub3A : i32
        %select_n3A_42 = arith.select %and3A_40, %sub3A_41, %div3A : i32
        %mul3A_43 = arith.constant 128 : i32
        %mul3A_44 = arith.muli %select_n3A_21, %mul3A_43 : i32
        %multiple_of3A = tpu.assume_multiple %mul3A_44, 128 : i32
        %mul3A_45 = arith.constant 112 : i32
        %mul3A_46 = arith.muli %select_n3A_42, %mul3A_45 : i32
        %multiple_of3A_47 = tpu.assume_multiple %mul3A_46, 112 : i32
        "tpu.region"() ({
          %run_scoped3A = tpu.sem_alloc : memref<!tpu.dma_semaphore, #tpu.memory_space<semaphore_mem>>
          %dma_start3A_100 = tpu.memref_slice %arg3[%multiple_of3A] : memref<5000xi32, #tpu.memory_space<hbm>> -> memref<128xi32, #tpu.memory_space<hbm>>
          %dma_start3A_101 = tpu.memref_slice %arg3[%multiple_of3A] : memref<5000xi32, #tpu.memory_space<hbm>> -> memref<128xi32, #tpu.memory_space<hbm>>
          tpu.enqueue_dma source(%dma_start3A_101 : memref<128xi32, #tpu.memory_space<hbm>>) target(%arg5 : memref<128xi32, #tpu.memory_space<vmem>>) target_semaphore(%run_scoped3A : memref<!tpu.dma_semaphore, #tpu.memory_space<semaphore_mem>>)
          %dma_wait3A_102 = tpu.memref_slice %arg3[%multiple_of3A] : memref<5000xi32, #tpu.memory_space<hbm>> -> memref<128xi32, #tpu.memory_space<hbm>>
          %dma_wait3A_103 = tpu.memref_slice %arg3[%multiple_of3A] : memref<5000xi32, #tpu.memory_space<hbm>> -> memref<128xi32, #tpu.memory_space<hbm>>
          tpu.wait_dma2 semaphore(%run_scoped3A : memref<!tpu.dma_semaphore, #tpu.memory_space<semaphore_mem>>) src(%dma_wait3A_103 : memref<128xi32, #tpu.memory_space<hbm>>) dst(%arg5 : memref<128xi32, #tpu.memory_space<vmem>>)
          tpu.yield
        }) : () -> ()
        %add3A_48 = arith.constant 0 : i32
        %add3A_49 = arith.addi %multiple_of3A_47, %add3A_48 : i32
        %dma_start3A = arith.constant 0 : i32
        %dma_start3A_50 = tpu.memref_slice %arg2[%add3A_49, %dma_start3A, %multiple_of3A] : memref<784x81x5000xf32, #tpu.memory_space<hbm>> -> memref<1x81x128xf32, #tpu.memory_space<hbm>>
        %dma_start3A_51 = tpu.memref_squeeze %dma_start3A_50 : memref<1x81x128xf32, #tpu.memory_space<hbm>> -> memref<81x128xf32, #tpu.memory_space<hbm>>
        %dma_start3A_52 = arith.constant 0 : i32
        %dma_start3A_53 = tpu.memref_slice %arg2[%add3A_49, %dma_start3A_52, %multiple_of3A] : memref<784x81x5000xf32, #tpu.memory_space<hbm>> -> memref<1x81x128xf32, #tpu.memory_space<hbm>>
        %dma_start3A_54 = tpu.memref_squeeze %dma_start3A_53 : memref<1x81x128xf32, #tpu.memory_space<hbm>> -> memref<81x128xf32, #tpu.memory_space<hbm>>
        tpu.enqueue_dma source(%dma_start3A_54 : memref<81x128xf32, #tpu.memory_space<hbm>>) target(%arg6 : memref<81x128xf32, #tpu.memory_space<vmem>>) target_semaphore(%arg13 : memref<!tpu.dma_semaphore, #tpu.memory_space<semaphore_mem>>)
        %add3A_55 = arith.constant 1 : i32
        %add3A_56 = arith.addi %multiple_of3A_47, %add3A_55 : i32
        %dma_start3A_57 = arith.constant 0 : i32
        %dma_start3A_58 = tpu.memref_slice %arg2[%add3A_56, %dma_start3A_57, %multiple_of3A] : memref<784x81x5000xf32, #tpu.memory_space<hbm>> -> memref<1x81x128xf32, #tpu.memory_space<hbm>>
        %dma_start3A_59 = tpu.memref_squeeze %dma_start3A_58 : memref<1x81x128xf32, #tpu.memory_space<hbm>> -> memref<81x128xf32, #tpu.memory_space<hbm>>
        %dma_start3A_60 = arith.constant 0 : i32
        %dma_start3A_61 = tpu.memref_slice %arg2[%add3A_56, %dma_start3A_60, %multiple_of3A] : memref<784x81x5000xf32, #tpu.memory_space<hbm>> -> memref<1x81x128xf32, #tpu.memory_space<hbm>>
        %dma_start3A_62 = tpu.memref_squeeze %dma_start3A_61 : memref<1x81x128xf32, #tpu.memory_space<hbm>> -> memref<81x128xf32, #tpu.memory_space<hbm>>
        tpu.enqueue_dma source(%dma_start3A_62 : memref<81x128xf32, #tpu.memory_space<hbm>>) target(%arg7 : memref<81x128xf32, #tpu.memory_space<vmem>>) target_semaphore(%arg13 : memref<!tpu.dma_semaphore, #tpu.memory_space<semaphore_mem>>)
        %add3A_63 = arith.constant 2 : i32
        %add3A_64 = arith.addi %multiple_of3A_47, %add3A_63 : i32
        %dma_start3A_65 = arith.constant 0 : i32
        %dma_start3A_66 = tpu.memref_slice %arg2[%add3A_64, %dma_start3A_65, %multiple_of3A] : memref<784x81x5000xf32, #tpu.memory_space<hbm>> -> memref<1x81x128xf32, #tpu.memory_space<hbm>>
        %dma_start3A_67 = tpu.memref_squeeze %dma_start3A_66 : memref<1x81x128xf32, #tpu.memory_space<hbm>> -> memref<81x128xf32, #tpu.memory_space<hbm>>
        %dma_start3A_68 = arith.constant 0 : i32
        %dma_start3A_69 = tpu.memref_slice %arg2[%add3A_64, %dma_start3A_68, %multiple_of3A] : memref<784x81x5000xf32, #tpu.memory_space<hbm>> -> memref<1x81x128xf32, #tpu.memory_space<hbm>>
        %dma_start3A_70 = tpu.memref_squeeze %dma_start3A_69 : memref<1x81x128xf32, #tpu.memory_space<hbm>> -> memref<81x128xf32, #tpu.memory_space<hbm>>
        tpu.enqueue_dma source(%dma_start3A_70 : memref<81x128xf32, #tpu.memory_space<hbm>>) target(%arg8 : memref<81x128xf32, #tpu.memory_space<vmem>>) target_semaphore(%arg13 : memref<!tpu.dma_semaphore, #tpu.memory_space<semaphore_mem>>)
        %add3A_71 = arith.constant 3 : i32
        %add3A_72 = arith.addi %multiple_of3A_47, %add3A_71 : i32
        %dma_start3A_73 = arith.constant 0 : i32
        %dma_start3A_74 = tpu.memref_slice %arg2[%add3A_72, %dma_start3A_73, %multiple_of3A] : memref<784x81x5000xf32, #tpu.memory_space<hbm>> -> memref<1x81x128xf32, #tpu.memory_space<hbm>>
        %dma_start3A_75 = tpu.memref_squeeze %dma_start3A_74 : memref<1x81x128xf32, #tpu.memory_space<hbm>> -> memref<81x128xf32, #tpu.memory_space<hbm>>
        %dma_start3A_76 = arith.constant 0 : i32
        %dma_start3A_77 = tpu.memref_slice %arg2[%add3A_72, %dma_start3A_76, %multiple_of3A] : memref<784x81x5000xf32, #tpu.memory_space<hbm>> -> memref<1x81x128xf32, #tpu.memory_space<hbm>>
        %dma_start3A_78 = tpu.memref_squeeze %dma_start3A_77 : memref<1x81x128xf32, #tpu.memory_space<hbm>> -> memref<81x128xf32, #tpu.memory_space<hbm>>
        tpu.enqueue_dma source(%dma_start3A_78 : memref<81x128xf32, #tpu.memory_space<hbm>>) target(%arg9 : memref<81x128xf32, #tpu.memory_space<vmem>>) target_semaphore(%arg13 : memref<!tpu.dma_semaphore, #tpu.memory_space<semaphore_mem>>)
        %add3A_79 = arith.constant 4 : i32
        %add3A_80 = arith.addi %multiple_of3A_47, %add3A_79 : i32
        %dma_start3A_81 = arith.constant 0 : i32
        %dma_start3A_82 = tpu.memref_slice %arg2[%add3A_80, %dma_start3A_81, %multiple_of3A] : memref<784x81x5000xf32, #tpu.memory_space<hbm>> -> memref<1x81x128xf32, #tpu.memory_space<hbm>>
        %dma_start3A_83 = tpu.memref_squeeze %dma_start3A_82 : memref<1x81x128xf32, #tpu.memory_space<hbm>> -> memref<81x128xf32, #tpu.memory_space<hbm>>
        %dma_start3A_84 = arith.constant 0 : i32
        %dma_start3A_85 = tpu.memref_slice %arg2[%add3A_80, %dma_start3A_84, %multiple_of3A] : memref<784x81x5000xf32, #tpu.memory_space<hbm>> -> memref<1x81x128xf32, #tpu.memory_space<hbm>>
        %dma_start3A_86 = tpu.memref_squeeze %dma_start3A_85 : memref<1x81x128xf32, #tpu.memory_space<hbm>> -> memref<81x128xf32, #tpu.memory_space<hbm>>
        tpu.enqueue_dma source(%dma_start3A_86 : memref<81x128xf32, #tpu.memory_space<hbm>>) target(%arg10 : memref<81x128xf32, #tpu.memory_space<vmem>>) target_semaphore(%arg13 : memref<!tpu.dma_semaphore, #tpu.memory_space<semaphore_mem>>)
        %scan3A_87 = arith.constant 0 : i32
        %scan3A_88 = arith.constant 0 : i32
        %scan3A_89 = arith.constant 112 : i32
        %scan3A_90 = arith.addi %scan3A_88, %scan3A_89 : i32
        %scan3A_91 = arith.constant 1 : i32
        scf.for %scan3A_100 = %scan3A_88 to %scan3A_90 step %scan3A_91  : i32 {
          %jit3A_101 = arith.constant 6 : i32
          %eq3A_102 = arith.constant 0 : i32
          %eq3A_103 = arith.cmpi eq, %jit3A_101, %eq3A_102 : i32
          %jit3A_104 = arith.constant 1 : i32
          %select_n3A_105 = arith.select %eq3A_103, %jit3A_104, %jit3A_101 : i32
          %rem3A_106 = arith.remsi %scan3A_100, %select_n3A_105 : i32
          %ne3A_107 = arith.constant 0 : i32
          %ne3A_108 = arith.cmpi ne, %rem3A_106, %ne3A_107 : i32
          %lt3A_109 = arith.constant 0 : i32
          %lt3A_110 = arith.cmpi slt, %rem3A_106, %lt3A_109 : i32
          %lt3A_111 = arith.constant 0 : i32
          %lt3A_112 = arith.cmpi slt, %select_n3A_105, %lt3A_111 : i32
          %ne3A_113 = arith.xori %lt3A_110, %lt3A_112 : i1
          %and3A_114 = arith.andi %ne3A_113, %ne3A_108 : i1
          %add3A_115 = arith.addi %rem3A_106, %select_n3A_105 : i32
          %select_n3A_116 = arith.select %and3A_114, %add3A_115, %rem3A_106 : i32
          %eq3A_117 = arith.constant 0 : i32
          %eq3A_118 = arith.cmpi eq, %select_n3A_116, %eq3A_117 : i32
          %convert_element_type3A_119 = arith.extui %eq3A_118 : i1 to i32
          %cond3A_120 = arith.constant 0 : i32
          %cond3A_121 = arith.cmpi ne, %convert_element_type3A_119, %cond3A_120 : i32
          scf.if %cond3A_121 {
            %dma_wait3A_227 = arith.constant 0 : i32
            %dma_wait3A_228 = arith.constant 0 : i32
            %dma_wait3A_229 = arith.constant 0 : i32
            %dma_wait3A_230 = tpu.memref_slice %arg2[%dma_wait3A_227, %dma_wait3A_228, %dma_wait3A_229] : memref<784x81x5000xf32, #tpu.memory_space<hbm>> -> memref<1x81x128xf32, #tpu.memory_space<hbm>>
            %dma_wait3A_231 = tpu.memref_squeeze %dma_wait3A_230 : memref<1x81x128xf32, #tpu.memory_space<hbm>> -> memref<81x128xf32, #tpu.memory_space<hbm>>
            %dma_wait3A_232 = arith.constant 0 : i32
            %dma_wait3A_233 = arith.constant 0 : i32
            %dma_wait3A_234 = tpu.memref_slice %arg2[%dma_wait3A_227, %dma_wait3A_232, %dma_wait3A_233] : memref<784x81x5000xf32, #tpu.memory_space<hbm>> -> memref<1x81x128xf32, #tpu.memory_space<hbm>>
            %dma_wait3A_235 = tpu.memref_squeeze %dma_wait3A_234 : memref<1x81x128xf32, #tpu.memory_space<hbm>> -> memref<81x128xf32, #tpu.memory_space<hbm>>
            tpu.wait_dma2 semaphore(%arg13 : memref<!tpu.dma_semaphore, #tpu.memory_space<semaphore_mem>>) src(%dma_wait3A_235 : memref<81x128xf32, #tpu.memory_space<hbm>>) dst(%arg6 : memref<81x128xf32, #tpu.memory_space<vmem>>)
            %add3A_236 = arith.constant 6 : i32
            %add3A_237 = arith.addi %scan3A_100, %add3A_236 : i32
            %sub3A_238 = arith.constant 1 : i32
            %sub3A_239 = arith.subi %add3A_237, %sub3A_238 : i32
            %lt3A_240 = arith.constant 112 : i32
            %lt3A_241 = arith.cmpi slt, %sub3A_239, %lt3A_240 : i32
            %convert_element_type3A_242 = arith.extui %lt3A_241 : i1 to i32
            %cond3A_243 = arith.constant 0 : i32
            %cond3A_244 = arith.cmpi ne, %convert_element_type3A_242, %cond3A_243 : i32
            scf.if %cond3A_244 {
              %add3A_392 = arith.constant 6 : i32
              %add3A_393 = arith.addi %scan3A_100, %add3A_392 : i32
              %sub3A_394 = arith.constant 1 : i32
              %sub3A_395 = arith.subi %add3A_393, %sub3A_394 : i32
              %add3A_396 = arith.addi %multiple_of3A_47, %sub3A_395 : i32
              %dma_start3A_397 = arith.constant 0 : i32
              %dma_start3A_398 = tpu.memref_slice %arg2[%add3A_396, %dma_start3A_397, %multiple_of3A] : memref<784x81x5000xf32, #tpu.memory_space<hbm>> -> memref<1x81x128xf32, #tpu.memory_space<hbm>>
              %dma_start3A_399 = tpu.memref_squeeze %dma_start3A_398 : memref<1x81x128xf32, #tpu.memory_space<hbm>> -> memref<81x128xf32, #tpu.memory_space<hbm>>
              %dma_start3A_400 = arith.constant 0 : i32
              %dma_start3A_401 = tpu.memref_slice %arg2[%add3A_396, %dma_start3A_400, %multiple_of3A] : memref<784x81x5000xf32, #tpu.memory_space<hbm>> -> memref<1x81x128xf32, #tpu.memory_space<hbm>>
              %dma_start3A_402 = tpu.memref_squeeze %dma_start3A_401 : memref<1x81x128xf32, #tpu.memory_space<hbm>> -> memref<81x128xf32, #tpu.memory_space<hbm>>
              tpu.enqueue_dma source(%dma_start3A_402 : memref<81x128xf32, #tpu.memory_space<hbm>>) target(%arg11 : memref<81x128xf32, #tpu.memory_space<vmem>>) target_semaphore(%arg13 : memref<!tpu.dma_semaphore, #tpu.memory_space<semaphore_mem>>)
            } else {
            }
            %get3A = arith.constant 0 : index
            %get3A_245 = tpu.vector_load %arg5[%get3A] {strides = array<i32>} : memref<128xi32, #tpu.memory_space<vmem>>, vector<16xi32>,
            %add3A_246 = arith.constant 0 : i32
            %add3A_247 = vector.broadcast %add3A_246 : i32 to vector<16xi32>
            %add3A_248 = arith.addi %add3A_247, %iota3A : vector<16xi32>
            %gather3A = tpu.vector_load_idx %arg6[%get3A_245, %add3A_248] : memref<81x128xf32, #tpu.memory_space<vmem>>[vector<16xi32>, vector<16xi32>], vector<16xf32>,
            %neg3A = arith.constant 0.000000e+00 : f32
            %neg3A_249 = vector.broadcast %neg3A : f32 to vector<16xf32>
            %neg3A_250 = arith.subf %neg3A_249, %gather3A : vector<16xf32>
            %exp3A = math.exp %neg3A_250 : vector<16xf32>
            %add3A_251 = arith.constant 1.000000e+00 : f32
            %add3A_252 = vector.broadcast %add3A_251 : f32 to vector<16xf32>
            %add3A_253 = arith.addf %add3A_252, %exp3A : vector<16xf32>
            %div3A_254 = arith.constant 1.000000e+00 : f32
            %div3A_255 = vector.broadcast %div3A_254 : f32 to vector<16xf32>
            %div3A_256 = arith.divf %div3A_255, %add3A_253 : vector<16xf32>
            %swap3A = arith.index_cast %scan3A_100 : i32 to index
            %swap3A_257 = arith.constant 0 : index
            %swap3A_258 = tpu.vector_load %arg12[%swap3A, %swap3A_257] {strides = array<i32>} : memref<112x128xf32, #tpu.memory_space<vmem>>, vector<16xf32>,
            tpu.vector_store %arg12[%swap3A, %swap3A_257], %div3A_256 {strides = array<i32>} : memref<112x128xf32, #tpu.memory_space<vmem>>, vector<16xf32>,
            %get3A_259 = arith.constant 16 : index
            %get3A_260 = tpu.vector_load %arg5[%get3A_259] {strides = array<i32>} : memref<128xi32, #tpu.memory_space<vmem>>, vector<16xi32>,
            %add3A_261 = arith.constant 16 : i32
            %add3A_262 = vector.broadcast %add3A_261 : i32 to vector<16xi32>
            %add3A_263 = arith.addi %add3A_262, %iota3A : vector<16xi32>
            %gather3A_264 = tpu.vector_load_idx %arg6[%get3A_260, %add3A_263] : memref<81x128xf32, #tpu.memory_space<vmem>>[vector<16xi32>, vector<16xi32>], vector<16xf32>,
            %neg3A_265 = arith.constant 0.000000e+00 : f32
            %neg3A_266 = vector.broadcast %neg3A_265 : f32 to vector<16xf32>
            %neg3A_267 = arith.subf %neg3A_266, %gather3A_264 : vector<16xf32>
            %exp3A_268 = math.exp %neg3A_267 : vector<16xf32>
            %add3A_269 = arith.constant 1.000000e+00 : f32
            %add3A_270 = vector.broadcast %add3A_269 : f32 to vector<16xf32>
            %add3A_271 = arith.addf %add3A_270, %exp3A_268 : vector<16xf32>
            %div3A_272 = arith.constant 1.000000e+00 : f32
            %div3A_273 = vector.broadcast %div3A_272 : f32 to vector<16xf32>
            %div3A_274 = arith.divf %div3A_273, %add3A_271 : vector<16xf32>
            %swap3A_275 = arith.index_cast %scan3A_100 : i32 to index
            %swap3A_276 = arith.constant 16 : index
            %swap3A_277 = tpu.vector_load %arg12[%swap3A_275, %swap3A_276] {strides = array<i32>} : memref<112x128xf32, #tpu.memory_space<vmem>>, vector<16xf32>,
            tpu.vector_store %arg12[%swap3A_275, %swap3A_276], %div3A_274 {strides = array<i32>} : memref<112x128xf32, #tpu.memory_space<vmem>>, vector<16xf32>,
            %get3A_278 = arith.constant 32 : index
            %get3A_279 = tpu.vector_load %arg5[%get3A_278] {strides = array<i32>} : memref<128xi32, #tpu.memory_space<vmem>>, vector<16xi32>,
            %add3A_280 = arith.constant 32 : i32
            %add3A_281 = vector.broadcast %add3A_280 : i32 to vector<16xi32>
            %add3A_282 = arith.addi %add3A_281, %iota3A : vector<16xi32>
            %gather3A_283 = tpu.vector_load_idx %arg6[%get3A_279, %add3A_282] : memref<81x128xf32, #tpu.memory_space<vmem>>[vector<16xi32>, vector<16xi32>], vector<16xf32>,
            %neg3A_284 = arith.constant 0.000000e+00 : f32
            %neg3A_285 = vector.broadcast %neg3A_284 : f32 to vector<16xf32>
            %neg3A_286 = arith.subf %neg3A_285, %gather3A_283 : vector<16xf32>
            %exp3A_287 = math.exp %neg3A_286 : vector<16xf32>
            %add3A_288 = arith.constant 1.000000e+00 : f32
            %add3A_289 = vector.broadcast %add3A_288 : f32 to vector<16xf32>
            %add3A_290 = arith.addf %add3A_289, %exp3A_287 : vector<16xf32>
            %div3A_291 = arith.constant 1.000000e+00 : f32
            %div3A_292 = vector.broadcast %div3A_291 : f32 to vector<16xf32>
            %div3A_293 = arith.divf %div3A_292, %add3A_290 : vector<16xf32>
            %swap3A_294 = arith.index_cast %scan3A_100 : i32 to index
            %swap3A_295 = arith.constant 32 : index
            %swap3A_296 = tpu.vector_load %arg12[%swap3A_294, %swap3A_295] {strides = array<i32>} : memref<112x128xf32, #tpu.memory_space<vmem>>, vector<16xf32>,
            tpu.vector_store %arg12[%swap3A_294, %swap3A_295], %div3A_293 {strides = array<i32>} : memref<112x128xf32, #tpu.memory_space<vmem>>, vector<16xf32>,
            %get3A_297 = arith.constant 48 : index
            %get3A_298 = tpu.vector_load %arg5[%get3A_297] {strides = array<i32>} : memref<128xi32, #tpu.memory_space<vmem>>, vector<16xi32>,
            %add3A_299 = arith.constant 48 : i32
            %add3A_300 = vector.broadcast %add3A_299 : i32 to vector<16xi32>
            %add3A_301 = arith.addi %add3A_300, %iota3A : vector<16xi32>
            %gather3A_302 = tpu.vector_load_idx %arg6[%get3A_298, %add3A_301] : memref<81x128xf32, #tpu.memory_space<vmem>>[vector<16xi32>, vector<16xi32>], vector<16xf32>,
            %neg3A_303 = arith.constant 0.000000e+00 : f32
            %neg3A_304 = vector.broadcast %neg3A_303 : f32 to vector<16xf32>
            %neg3A_305 = arith.subf %neg3A_304, %gather3A_302 : vector<16xf32>
            %exp3A_306 = math.exp %neg3A_305 : vector<16xf32>
            %add3A_307 = arith.constant 1.000000e+00 : f32
            %add3A_308 = vector.broadcast %add3A_307 : f32 to vector<16xf32>
            %add3A_309 = arith.addf %add3A_308, %exp3A_306 : vector<16xf32>
            %div3A_310 = arith.constant 1.000000e+00 : f32
            %div3A_311 = vector.broadcast %div3A_310 : f32 to vector<16xf32>
            %div3A_312 = arith.divf %div3A_311, %add3A_309 : vector<16xf32>
            %swap3A_313 = arith.index_cast %scan3A_100 : i32 to index
            %swap3A_314 = arith.constant 48 : index
            %swap3A_315 = tpu.vector_load %arg12[%swap3A_313, %swap3A_314] {strides = array<i32>} : memref<112x128xf32, #tpu.memory_space<vmem>>, vector<16xf32>,
            tpu.vector_store %arg12[%swap3A_313, %swap3A_314], %div3A_312 {strides = array<i32>} : memref<112x128xf32, #tpu.memory_space<vmem>>, vector<16xf32>,
            %get3A_316 = arith.constant 64 : index
            %get3A_317 = tpu.vector_load %arg5[%get3A_316] {strides = array<i32>} : memref<128xi32, #tpu.memory_space<vmem>>, vector<16xi32>,
            %add3A_318 = arith.constant 64 : i32
            %add3A_319 = vector.broadcast %add3A_318 : i32 to vector<16xi32>
            %add3A_320 = arith.addi %add3A_319, %iota3A : vector<16xi32>
            %gather3A_321 = tpu.vector_load_idx %arg6[%get3A_317, %add3A_320] : memref<81x128xf32, #tpu.memory_space<vmem>>[vector<16xi32>, vector<16xi32>], vector<16xf32>,
            %neg3A_322 = arith.constant 0.000000e+00 : f32
            %neg3A_323 = vector.broadcast %neg3A_322 : f32 to vector<16xf32>
            %neg3A_324 = arith.subf %neg3A_323, %gather3A_321 : vector<16xf32>
            %exp3A_325 = math.exp %neg3A_324 : vector<16xf32>
            %add3A_326 = arith.constant 1.000000e+00 : f32
            %add3A_327 = vector.broadcast %add3A_326 : f32 to vector<16xf32>
            %add3A_328 = arith.addf %add3A_327, %exp3A_325 : vector<16xf32>
            %div3A_329 = arith.constant 1.000000e+00 : f32
            %div3A_330 = vector.broadcast %div3A_329 : f32 to vector<16xf32>
            %div3A_331 = arith.divf %div3A_330, %add3A_328 : vector<16xf32>
            %swap3A_332 = arith.index_cast %scan3A_100 : i32 to index
            %swap3A_333 = arith.constant 64 : index
            %swap3A_334 = tpu.vector_load %arg12[%swap3A_332, %swap3A_333] {strides = array<i32>} : memref<112x128xf32, #tpu.memory_space<vmem>>, vector<16xf32>,
            tpu.vector_store %arg12[%swap3A_332, %swap3A_333], %div3A_331 {strides = array<i32>} : memref<112x128xf32, #tpu.memory_space<vmem>>, vector<16xf32>,
            %get3A_335 = arith.constant 80 : index
            %get3A_336 = tpu.vector_load %arg5[%get3A_335] {strides = array<i32>} : memref<128xi32, #tpu.memory_space<vmem>>, vector<16xi32>,
            %add3A_337 = arith.constant 80 : i32
            %add3A_338 = vector.broadcast %add3A_337 : i32 to vector<16xi32>
            %add3A_339 = arith.addi %add3A_338, %iota3A : vector<16xi32>
            %gather3A_340 = tpu.vector_load_idx %arg6[%get3A_336, %add3A_339] : memref<81x128xf32, #tpu.memory_space<vmem>>[vector<16xi32>, vector<16xi32>], vector<16xf32>,
            %neg3A_341 = arith.constant 0.000000e+00 : f32
            %neg3A_342 = vector.broadcast %neg3A_341 : f32 to vector<16xf32>
            %neg3A_343 = arith.subf %neg3A_342, %gather3A_340 : vector<16xf32>
            %exp3A_344 = math.exp %neg3A_343 : vector<16xf32>
            %add3A_345 = arith.constant 1.000000e+00 : f32
            %add3A_346 = vector.broadcast %add3A_345 : f32 to vector<16xf32>
            %add3A_347 = arith.addf %add3A_346, %exp3A_344 : vector<16xf32>
            %div3A_348 = arith.constant 1.000000e+00 : f32
            %div3A_349 = vector.broadcast %div3A_348 : f32 to vector<16xf32>
            %div3A_350 = arith.divf %div3A_349, %add3A_347 : vector<16xf32>
            %swap3A_351 = arith.index_cast %scan3A_100 : i32 to index
            %swap3A_352 = arith.constant 80 : index
            %swap3A_353 = tpu.vector_load %arg12[%swap3A_351, %swap3A_352] {strides = array<i32>} : memref<112x128xf32, #tpu.memory_space<vmem>>, vector<16xf32>,
            tpu.vector_store %arg12[%swap3A_351, %swap3A_352], %div3A_350 {strides = array<i32>} : memref<112x128xf32, #tpu.memory_space<vmem>>, vector<16xf32>,
            %get3A_354 = arith.constant 96 : index
            %get3A_355 = tpu.vector_load %arg5[%get3A_354] {strides = array<i32>} : memref<128xi32, #tpu.memory_space<vmem>>, vector<16xi32>,
            %add3A_356 = arith.constant 96 : i32
            %add3A_357 = vector.broadcast %add3A_356 : i32 to vector<16xi32>
            %add3A_358 = arith.addi %add3A_357, %iota3A : vector<16xi32>
            %gather3A_359 = tpu.vector_load_idx %arg6[%get3A_355, %add3A_358] : memref<81x128xf32, #tpu.memory_space<vmem>>[vector<16xi32>, vector<16xi32>], vector<16xf32>,
            %neg3A_360 = arith.constant 0.000000e+00 : f32
            %neg3A_361 = vector.broadcast %neg3A_360 : f32 to vector<16xf32>
            %neg3A_362 = arith.subf %neg3A_361, %gather3A_359 : vector<16xf32>
            %exp3A_363 = math.exp %neg3A_362 : vector<16xf32>
            %add3A_364 = arith.constant 1.000000e+00 : f32
            %add3A_365 = vector.broadcast %add3A_364 : f32 to vector<16xf32>
            %add3A_366 = arith.addf %add3A_365, %exp3A_363 : vector<16xf32>
            %div3A_367 = arith.constant 1.000000e+00 : f32
            %div3A_368 = vector.broadcast %div3A_367 : f32 to vector<16xf32>
            %div3A_369 = arith.divf %div3A_368, %add3A_366 : vector<16xf32>
            %swap3A_370 = arith.index_cast %scan3A_100 : i32 to index
            %swap3A_371 = arith.constant 96 : index
            %swap3A_372 = tpu.vector_load %arg12[%swap3A_370, %swap3A_371] {strides = array<i32>} : memref<112x128xf32, #tpu.memory_space<vmem>>, vector<16xf32>,
            tpu.vector_store %arg12[%swap3A_370, %swap3A_371], %div3A_369 {strides = array<i32>} : memref<112x128xf32, #tpu.memory_space<vmem>>, vector<16xf32>,
            %get3A_373 = arith.constant 112 : index
            %get3A_374 = tpu.vector_load %arg5[%get3A_373] {strides = array<i32>} : memref<128xi32, #tpu.memory_space<vmem>>, vector<16xi32>,
            %add3A_375 = arith.constant 112 : i32
            %add3A_376 = vector.broadcast %add3A_375 : i32 to vector<16xi32>
            %add3A_377 = arith.addi %add3A_376, %iota3A : vector<16xi32>
            %gather3A_378 = tpu.vector_load_idx %arg6[%get3A_374, %add3A_377] : memref<81x128xf32, #tpu.memory_space<vmem>>[vector<16xi32>, vector<16xi32>], vector<16xf32>,
            %neg3A_379 = arith.constant 0.000000e+00 : f32
            %neg3A_380 = vector.broadcast %neg3A_379 : f32 to vector<16xf32>
            %neg3A_381 = arith.subf %neg3A_380, %gather3A_378 : vector<16xf32>
            %exp3A_382 = math.exp %neg3A_381 : vector<16xf32>
            %add3A_383 = arith.constant 1.000000e+00 : f32
            %add3A_384 = vector.broadcast %add3A_383 : f32 to vector<16xf32>
            %add3A_385 = arith.addf %add3A_384, %exp3A_382 : vector<16xf32>
            %div3A_386 = arith.constant 1.000000e+00 : f32
            %div3A_387 = vector.broadcast %div3A_386 : f32 to vector<16xf32>
            %div3A_388 = arith.divf %div3A_387, %add3A_385 : vector<16xf32>
            %swap3A_389 = arith.index_cast %scan3A_100 : i32 to index
            %swap3A_390 = arith.constant 112 : index
            %swap3A_391 = tpu.vector_load %arg12[%swap3A_389, %swap3A_390] {strides = array<i32>} : memref<112x128xf32, #tpu.memory_space<vmem>>, vector<16xf32>,
            tpu.vector_store %arg12[%swap3A_389, %swap3A_390], %div3A_388 {strides = array<i32>} : memref<112x128xf32, #tpu.memory_space<vmem>>, vector<16xf32>,
          } else {
          }
          %jit3A_122 = arith.constant 6 : i32
          %eq3A_123 = arith.constant 0 : i32
          %eq3A_124 = arith.cmpi eq, %jit3A_122, %eq3A_123 : i32
          %jit3A_125 = arith.constant 1 : i32
          %select_n3A_126 = arith.select %eq3A_124, %jit3A_125, %jit3A_122 : i32
          %rem3A_127 = arith.remsi %scan3A_100, %select_n3A_126 : i32
          %ne3A_128 = arith.constant 0 : i32
          %ne3A_129 = arith.cmpi ne, %rem3A_127, %ne3A_128 : i32
          %lt3A_130 = arith.constant 0 : i32
          %lt3A_131 = arith.cmpi slt, %rem3A_127, %lt3A_130 : i32
          %lt3A_132 = arith.constant 0 : i32
          %lt3A_133 = arith.cmpi slt, %select_n3A_126, %lt3A_132 : i32
          %ne3A_134 = arith.xori %lt3A_131, %lt3A_133 : i1
          %and3A_135 = arith.andi %ne3A_134, %ne3A_129 : i1
          %add3A_136 = arith.addi %rem3A_127, %select_n3A_126 : i32
          %select_n3A_137 = arith.select %and3A_135, %add3A_136, %rem3A_127 : i32
          %eq3A_138 = arith.constant 1 : i32
          %eq3A_139 = arith.cmpi eq, %select_n3A_137, %eq3A_138 : i32
          %convert_element_type3A_140 = arith.extui %eq3A_139 : i1 to i32
          %cond3A_141 = arith.constant 0 : i32
          %cond3A_142 = arith.cmpi ne, %convert_element_type3A_140, %cond3A_141 : i32
          scf.if %cond3A_142 {
            %dma_wait3A_227 = arith.constant 0 : i32
            %dma_wait3A_228 = arith.constant 0 : i32
            %dma_wait3A_229 = arith.constant 0 : i32
            %dma_wait3A_230 = tpu.memref_slice %arg2[%dma_wait3A_227, %dma_wait3A_228, %dma_wait3A_229] : memref<784x81x5000xf32, #tpu.memory_space<hbm>> -> memref<1x81x128xf32, #tpu.memory_space<hbm>>
            %dma_wait3A_231 = tpu.memref_squeeze %dma_wait3A_230 : memref<1x81x128xf32, #tpu.memory_space<hbm>> -> memref<81x128xf32, #tpu.memory_space<hbm>>
            %dma_wait3A_232 = arith.constant 0 : i32
            %dma_wait3A_233 = arith.constant 0 : i32
            %dma_wait3A_234 = tpu.memref_slice %arg2[%dma_wait3A_227, %dma_wait3A_232, %dma_wait3A_233] : memref<784x81x5000xf32, #tpu.memory_space<hbm>> -> memref<1x81x128xf32, #tpu.memory_space<hbm>>
            %dma_wait3A_235 = tpu.memref_squeeze %dma_wait3A_234 : memref<1x81x128xf32, #tpu.memory_space<hbm>> -> memref<81x128xf32, #tpu.memory_space<hbm>>
            tpu.wait_dma2 semaphore(%arg13 : memref<!tpu.dma_semaphore, #tpu.memory_space<semaphore_mem>>) src(%dma_wait3A_235 : memref<81x128xf32, #tpu.memory_space<hbm>>) dst(%arg7 : memref<81x128xf32, #tpu.memory_space<vmem>>)
            %add3A_236 = arith.constant 6 : i32
            %add3A_237 = arith.addi %scan3A_100, %add3A_236 : i32
            %sub3A_238 = arith.constant 1 : i32
            %sub3A_239 = arith.subi %add3A_237, %sub3A_238 : i32
            %lt3A_240 = arith.constant 112 : i32
            %lt3A_241 = arith.cmpi slt, %sub3A_239, %lt3A_240 : i32
            %convert_element_type3A_242 = arith.extui %lt3A_241 : i1 to i32
            %cond3A_243 = arith.constant 0 : i32
            %cond3A_244 = arith.cmpi ne, %convert_element_type3A_242, %cond3A_243 : i32
            scf.if %cond3A_244 {
              %add3A_392 = arith.constant 6 : i32
              %add3A_393 = arith.addi %scan3A_100, %add3A_392 : i32
              %sub3A_394 = arith.constant 1 : i32
              %sub3A_395 = arith.subi %add3A_393, %sub3A_394 : i32
              %add3A_396 = arith.addi %multiple_of3A_47, %sub3A_395 : i32
              %dma_start3A_397 = arith.constant 0 : i32
              %dma_start3A_398 = tpu.memref_slice %arg2[%add3A_396, %dma_start3A_397, %multiple_of3A] : memref<784x81x5000xf32, #tpu.memory_space<hbm>> -> memref<1x81x128xf32, #tpu.memory_space<hbm>>
              %dma_start3A_399 = tpu.memref_squeeze %dma_start3A_398 : memref<1x81x128xf32, #tpu.memory_space<hbm>> -> memref<81x128xf32, #tpu.memory_space<hbm>>
              %dma_start3A_400 = arith.constant 0 : i32
              %dma_start3A_401 = tpu.memref_slice %arg2[%add3A_396, %dma_start3A_400, %multiple_of3A] : memref<784x81x5000xf32, #tpu.memory_space<hbm>> -> memref<1x81x128xf32, #tpu.memory_space<hbm>>
              %dma_start3A_402 = tpu.memref_squeeze %dma_start3A_401 : memref<1x81x128xf32, #tpu.memory_space<hbm>> -> memref<81x128xf32, #tpu.memory_space<hbm>>
              tpu.enqueue_dma source(%dma_start3A_402 : memref<81x128xf32, #tpu.memory_space<hbm>>) target(%arg6 : memref<81x128xf32, #tpu.memory_space<vmem>>) target_semaphore(%arg13 : memref<!tpu.dma_semaphore, #tpu.memory_space<semaphore_mem>>)
            } else {
            }
            %get3A = arith.constant 0 : index
            %get3A_245 = tpu.vector_load %arg5[%get3A] {strides = array<i32>} : memref<128xi32, #tpu.memory_space<vmem>>, vector<16xi32>,
            %add3A_246 = arith.constant 0 : i32
            %add3A_247 = vector.broadcast %add3A_246 : i32 to vector<16xi32>
            %add3A_248 = arith.addi %add3A_247, %iota3A : vector<16xi32>
            %gather3A = tpu.vector_load_idx %arg7[%get3A_245, %add3A_248] : memref<81x128xf32, #tpu.memory_space<vmem>>[vector<16xi32>, vector<16xi32>], vector<16xf32>,
            %neg3A = arith.constant 0.000000e+00 : f32
            %neg3A_249 = vector.broadcast %neg3A : f32 to vector<16xf32>
            %neg3A_250 = arith.subf %neg3A_249, %gather3A : vector<16xf32>
            %exp3A = math.exp %neg3A_250 : vector<16xf32>
            %add3A_251 = arith.constant 1.000000e+00 : f32
            %add3A_252 = vector.broadcast %add3A_251 : f32 to vector<16xf32>
            %add3A_253 = arith.addf %add3A_252, %exp3A : vector<16xf32>
            %div3A_254 = arith.constant 1.000000e+00 : f32
            %div3A_255 = vector.broadcast %div3A_254 : f32 to vector<16xf32>
            %div3A_256 = arith.divf %div3A_255, %add3A_253 : vector<16xf32>
            %swap3A = arith.index_cast %scan3A_100 : i32 to index
            %swap3A_257 = arith.constant 0 : index
            %swap3A_258 = tpu.vector_load %arg12[%swap3A, %swap3A_257] {strides = array<i32>} : memref<112x128xf32, #tpu.memory_space<vmem>>, vector<16xf32>,
            tpu.vector_store %arg12[%swap3A, %swap3A_257], %div3A_256 {strides = array<i32>} : memref<112x128xf32, #tpu.memory_space<vmem>>, vector<16xf32>,
            %get3A_259 = arith.constant 16 : index
            %get3A_260 = tpu.vector_load %arg5[%get3A_259] {strides = array<i32>} : memref<128xi32, #tpu.memory_space<vmem>>, vector<16xi32>,
            %add3A_261 = arith.constant 16 : i32
            %add3A_262 = vector.broadcast %add3A_261 : i32 to vector<16xi32>
            %add3A_263 = arith.addi %add3A_262, %iota3A : vector<16xi32>
            %gather3A_264 = tpu.vector_load_idx %arg7[%get3A_260, %add3A_263] : memref<81x128xf32, #tpu.memory_space<vmem>>[vector<16xi32>, vector<16xi32>], vector<16xf32>,
            %neg3A_265 = arith.constant 0.000000e+00 : f32
            %neg3A_266 = vector.broadcast %neg3A_265 : f32 to vector<16xf32>
            %neg3A_267 = arith.subf %neg3A_266, %gather3A_264 : vector<16xf32>
            %exp3A_268 = math.exp %neg3A_267 : vector<16xf32>
            %add3A_269 = arith.constant 1.000000e+00 : f32
            %add3A_270 = vector.broadcast %add3A_269 : f32 to vector<16xf32>
            %add3A_271 = arith.addf %add3A_270, %exp3A_268 : vector<16xf32>
            %div3A_272 = arith.constant 1.000000e+00 : f32
            %div3A_273 = vector.broadcast %div3A_272 : f32 to vector<16xf32>
            %div3A_274 = arith.divf %div3A_273, %add3A_271 : vector<16xf32>
            %swap3A_275 = arith.index_cast %scan3A_100 : i32 to index
            %swap3A_276 = arith.constant 16 : index
            %swap3A_277 = tpu.vector_load %arg12[%swap3A_275, %swap3A_276] {strides = array<i32>} : memref<112x128xf32, #tpu.memory_space<vmem>>, vector<16xf32>,
            tpu.vector_store %arg12[%swap3A_275, %swap3A_276], %div3A_274 {strides = array<i32>} : memref<112x128xf32, #tpu.memory_space<vmem>>, vector<16xf32>,
            %get3A_278 = arith.constant 32 : index
            %get3A_279 = tpu.vector_load %arg5[%get3A_278] {strides = array<i32>} : memref<128xi32, #tpu.memory_space<vmem>>, vector<16xi32>,
            %add3A_280 = arith.constant 32 : i32
            %add3A_281 = vector.broadcast %add3A_280 : i32 to vector<16xi32>
            %add3A_282 = arith.addi %add3A_281, %iota3A : vector<16xi32>
            %gather3A_283 = tpu.vector_load_idx %arg7[%get3A_279, %add3A_282] : memref<81x128xf32, #tpu.memory_space<vmem>>[vector<16xi32>, vector<16xi32>], vector<16xf32>,
            %neg3A_284 = arith.constant 0.000000e+00 : f32
            %neg3A_285 = vector.broadcast %neg3A_284 : f32 to vector<16xf32>
            %neg3A_286 = arith.subf %neg3A_285, %gather3A_283 : vector<16xf32>
            %exp3A_287 = math.exp %neg3A_286 : vector<16xf32>
            %add3A_288 = arith.constant 1.000000e+00 : f32
            %add3A_289 = vector.broadcast %add3A_288 : f32 to vector<16xf32>
            %add3A_290 = arith.addf %add3A_289, %exp3A_287 : vector<16xf32>
            %div3A_291 = arith.constant 1.000000e+00 : f32
            %div3A_292 = vector.broadcast %div3A_291 : f32 to vector<16xf32>
            %div3A_293 = arith.divf %div3A_292, %add3A_290 : vector<16xf32>
            %swap3A_294 = arith.index_cast %scan3A_100 : i32 to index
            %swap3A_295 = arith.constant 32 : index
            %swap3A_296 = tpu.vector_load %arg12[%swap3A_294, %swap3A_295] {strides = array<i32>} : memref<112x128xf32, #tpu.memory_space<vmem>>, vector<16xf32>,
            tpu.vector_store %arg12[%swap3A_294, %swap3A_295], %div3A_293 {strides = array<i32>} : memref<112x128xf32, #tpu.memory_space<vmem>>, vector<16xf32>,
            %get3A_297 = arith.constant 48 : index
            %get3A_298 = tpu.vector_load %arg5[%get3A_297] {strides = array<i32>} : memref<128xi32, #tpu.memory_space<vmem>>, vector<16xi32>,
            %add3A_299 = arith.constant 48 : i32
            %add3A_300 = vector.broadcast %add3A_299 : i32 to vector<16xi32>
            %add3A_301 = arith.addi %add3A_300, %iota3A : vector<16xi32>
            %gather3A_302 = tpu.vector_load_idx %arg7[%get3A_298, %add3A_301] : memref<81x128xf32, #tpu.memory_space<vmem>>[vector<16xi32>, vector<16xi32>], vector<16xf32>,
            %neg3A_303 = arith.constant 0.000000e+00 : f32
            %neg3A_304 = vector.broadcast %neg3A_303 : f32 to vector<16xf32>
            %neg3A_305 = arith.subf %neg3A_304, %gather3A_302 : vector<16xf32>
            %exp3A_306 = math.exp %neg3A_305 : vector<16xf32>
            %add3A_307 = arith.constant 1.000000e+00 : f32
            %add3A_308 = vector.broadcast %add3A_307 : f32 to vector<16xf32>
            %add3A_309 = arith.addf %add3A_308, %exp3A_306 : vector<16xf32>
            %div3A_310 = arith.constant 1.000000e+00 : f32
            %div3A_311 = vector.broadcast %div3A_310 : f32 to vector<16xf32>
            %div3A_312 = arith.divf %div3A_311, %add3A_309 : vector<16xf32>
            %swap3A_313 = arith.index_cast %scan3A_100 : i32 to index
            %swap3A_314 = arith.constant 48 : index
            %swap3A_315 = tpu.vector_load %arg12[%swap3A_313, %swap3A_314] {strides = array<i32>} : memref<112x128xf32, #tpu.memory_space<vmem>>, vector<16xf32>,
            tpu.vector_store %arg12[%swap3A_313, %swap3A_314], %div3A_312 {strides = array<i32>} : memref<112x128xf32, #tpu.memory_space<vmem>>, vector<16xf32>,
            %get3A_316 = arith.constant 64 : index
            %get3A_317 = tpu.vector_load %arg5[%get3A_316] {strides = array<i32>} : memref<128xi32, #tpu.memory_space<vmem>>, vector<16xi32>,
            %add3A_318 = arith.constant 64 : i32
            %add3A_319 = vector.broadcast %add3A_318 : i32 to vector<16xi32>
            %add3A_320 = arith.addi %add3A_319, %iota3A : vector<16xi32>
            %gather3A_321 = tpu.vector_load_idx %arg7[%get3A_317, %add3A_320] : memref<81x128xf32, #tpu.memory_space<vmem>>[vector<16xi32>, vector<16xi32>], vector<16xf32>,
            %neg3A_322 = arith.constant 0.000000e+00 : f32
            %neg3A_323 = vector.broadcast %neg3A_322 : f32 to vector<16xf32>
            %neg3A_324 = arith.subf %neg3A_323, %gather3A_321 : vector<16xf32>
            %exp3A_325 = math.exp %neg3A_324 : vector<16xf32>
            %add3A_326 = arith.constant 1.000000e+00 : f32
            %add3A_327 = vector.broadcast %add3A_326 : f32 to vector<16xf32>
            %add3A_328 = arith.addf %add3A_327, %exp3A_325 : vector<16xf32>
            %div3A_329 = arith.constant 1.000000e+00 : f32
            %div3A_330 = vector.broadcast %div3A_329 : f32 to vector<16xf32>
            %div3A_331 = arith.divf %div3A_330, %add3A_328 : vector<16xf32>
            %swap3A_332 = arith.index_cast %scan3A_100 : i32 to index
            %swap3A_333 = arith.constant 64 : index
            %swap3A_334 = tpu.vector_load %arg12[%swap3A_332, %swap3A_333] {strides = array<i32>} : memref<112x128xf32, #tpu.memory_space<vmem>>, vector<16xf32>,
            tpu.vector_store %arg12[%swap3A_332, %swap3A_333], %div3A_331 {strides = array<i32>} : memref<112x128xf32, #tpu.memory_space<vmem>>, vector<16xf32>,
            %get3A_335 = arith.constant 80 : index
            %get3A_336 = tpu.vector_load %arg5[%get3A_335] {strides = array<i32>} : memref<128xi32, #tpu.memory_space<vmem>>, vector<16xi32>,
            %add3A_337 = arith.constant 80 : i32
            %add3A_338 = vector.broadcast %add3A_337 : i32 to vector<16xi32>
            %add3A_339 = arith.addi %add3A_338, %iota3A : vector<16xi32>
            %gather3A_340 = tpu.vector_load_idx %arg7[%get3A_336, %add3A_339] : memref<81x128xf32, #tpu.memory_space<vmem>>[vector<16xi32>, vector<16xi32>], vector<16xf32>,
            %neg3A_341 = arith.constant 0.000000e+00 : f32
            %neg3A_342 = vector.broadcast %neg3A_341 : f32 to vector<16xf32>
            %neg3A_343 = arith.subf %neg3A_342, %gather3A_340 : vector<16xf32>
            %exp3A_344 = math.exp %neg3A_343 : vector<16xf32>
            %add3A_345 = arith.constant 1.000000e+00 : f32
            %add3A_346 = vector.broadcast %add3A_345 : f32 to vector<16xf32>
            %add3A_347 = arith.addf %add3A_346, %exp3A_344 : vector<16xf32>
            %div3A_348 = arith.constant 1.000000e+00 : f32
            %div3A_349 = vector.broadcast %div3A_348 : f32 to vector<16xf32>
            %div3A_350 = arith.divf %div3A_349, %add3A_347 : vector<16xf32>
            %swap3A_351 = arith.index_cast %scan3A_100 : i32 to index
            %swap3A_352 = arith.constant 80 : index
            %swap3A_353 = tpu.vector_load %arg12[%swap3A_351, %swap3A_352] {strides = array<i32>} : memref<112x128xf32, #tpu.memory_space<vmem>>, vector<16xf32>,
            tpu.vector_store %arg12[%swap3A_351, %swap3A_352], %div3A_350 {strides = array<i32>} : memref<112x128xf32, #tpu.memory_space<vmem>>, vector<16xf32>,
            %get3A_354 = arith.constant 96 : index
            %get3A_355 = tpu.vector_load %arg5[%get3A_354] {strides = array<i32>} : memref<128xi32, #tpu.memory_space<vmem>>, vector<16xi32>,
            %add3A_356 = arith.constant 96 : i32
            %add3A_357 = vector.broadcast %add3A_356 : i32 to vector<16xi32>
            %add3A_358 = arith.addi %add3A_357, %iota3A : vector<16xi32>
            %gather3A_359 = tpu.vector_load_idx %arg7[%get3A_355, %add3A_358] : memref<81x128xf32, #tpu.memory_space<vmem>>[vector<16xi32>, vector<16xi32>], vector<16xf32>,
            %neg3A_360 = arith.constant 0.000000e+00 : f32
            %neg3A_361 = vector.broadcast %neg3A_360 : f32 to vector<16xf32>
            %neg3A_362 = arith.subf %neg3A_361, %gather3A_359 : vector<16xf32>
            %exp3A_363 = math.exp %neg3A_362 : vector<16xf32>
            %add3A_364 = arith.constant 1.000000e+00 : f32
            %add3A_365 = vector.broadcast %add3A_364 : f32 to vector<16xf32>
            %add3A_366 = arith.addf %add3A_365, %exp3A_363 : vector<16xf32>
            %div3A_367 = arith.constant 1.000000e+00 : f32
            %div3A_368 = vector.broadcast %div3A_367 : f32 to vector<16xf32>
            %div3A_369 = arith.divf %div3A_368, %add3A_366 : vector<16xf32>
            %swap3A_370 = arith.index_cast %scan3A_100 : i32 to index
            %swap3A_371 = arith.constant 96 : index
            %swap3A_372 = tpu.vector_load %arg12[%swap3A_370, %swap3A_371] {strides = array<i32>} : memref<112x128xf32, #tpu.memory_space<vmem>>, vector<16xf32>,
            tpu.vector_store %arg12[%swap3A_370, %swap3A_371], %div3A_369 {strides = array<i32>} : memref<112x128xf32, #tpu.memory_space<vmem>>, vector<16xf32>,
            %get3A_373 = arith.constant 112 : index
            %get3A_374 = tpu.vector_load %arg5[%get3A_373] {strides = array<i32>} : memref<128xi32, #tpu.memory_space<vmem>>, vector<16xi32>,
            %add3A_375 = arith.constant 112 : i32
            %add3A_376 = vector.broadcast %add3A_375 : i32 to vector<16xi32>
            %add3A_377 = arith.addi %add3A_376, %iota3A : vector<16xi32>
            %gather3A_378 = tpu.vector_load_idx %arg7[%get3A_374, %add3A_377] : memref<81x128xf32, #tpu.memory_space<vmem>>[vector<16xi32>, vector<16xi32>], vector<16xf32>,
            %neg3A_379 = arith.constant 0.000000e+00 : f32
            %neg3A_380 = vector.broadcast %neg3A_379 : f32 to vector<16xf32>
            %neg3A_381 = arith.subf %neg3A_380, %gather3A_378 : vector<16xf32>
            %exp3A_382 = math.exp %neg3A_381 : vector<16xf32>
            %add3A_383 = arith.constant 1.000000e+00 : f32
            %add3A_384 = vector.broadcast %add3A_383 : f32 to vector<16xf32>
            %add3A_385 = arith.addf %add3A_384, %exp3A_382 : vector<16xf32>
            %div3A_386 = arith.constant 1.000000e+00 : f32
            %div3A_387 = vector.broadcast %div3A_386 : f32 to vector<16xf32>
            %div3A_388 = arith.divf %div3A_387, %add3A_385 : vector<16xf32>
            %swap3A_389 = arith.index_cast %scan3A_100 : i32 to index
            %swap3A_390 = arith.constant 112 : index
            %swap3A_391 = tpu.vector_load %arg12[%swap3A_389, %swap3A_390] {strides = array<i32>} : memref<112x128xf32, #tpu.memory_space<vmem>>, vector<16xf32>,
            tpu.vector_store %arg12[%swap3A_389, %swap3A_390], %div3A_388 {strides = array<i32>} : memref<112x128xf32, #tpu.memory_space<vmem>>, vector<16xf32>,
          } else {
          }
          %jit3A_143 = arith.constant 6 : i32
          %eq3A_144 = arith.constant 0 : i32
          %eq3A_145 = arith.cmpi eq, %jit3A_143, %eq3A_144 : i32
          %jit3A_146 = arith.constant 1 : i32
          %select_n3A_147 = arith.select %eq3A_145, %jit3A_146, %jit3A_143 : i32
          %rem3A_148 = arith.remsi %scan3A_100, %select_n3A_147 : i32
          %ne3A_149 = arith.constant 0 : i32
          %ne3A_150 = arith.cmpi ne, %rem3A_148, %ne3A_149 : i32
          %lt3A_151 = arith.constant 0 : i32
          %lt3A_152 = arith.cmpi slt, %rem3A_148, %lt3A_151 : i32
          %lt3A_153 = arith.constant 0 : i32
          %lt3A_154 = arith.cmpi slt, %select_n3A_147, %lt3A_153 : i32
          %ne3A_155 = arith.xori %lt3A_152, %lt3A_154 : i1
          %and3A_156 = arith.andi %ne3A_155, %ne3A_150 : i1
          %add3A_157 = arith.addi %rem3A_148, %select_n3A_147 : i32
          %select_n3A_158 = arith.select %and3A_156, %add3A_157, %rem3A_148 : i32
          %eq3A_159 = arith.constant 2 : i32
          %eq3A_160 = arith.cmpi eq, %select_n3A_158, %eq3A_159 : i32
          %convert_element_type3A_161 = arith.extui %eq3A_160 : i1 to i32
          %cond3A_162 = arith.constant 0 : i32
          %cond3A_163 = arith.cmpi ne, %convert_element_type3A_161, %cond3A_162 : i32
          scf.if %cond3A_163 {
            %dma_wait3A_227 = arith.constant 0 : i32
            %dma_wait3A_228 = arith.constant 0 : i32
            %dma_wait3A_229 = arith.constant 0 : i32
            %dma_wait3A_230 = tpu.memref_slice %arg2[%dma_wait3A_227, %dma_wait3A_228, %dma_wait3A_229] : memref<784x81x5000xf32, #tpu.memory_space<hbm>> -> memref<1x81x128xf32, #tpu.memory_space<hbm>>
            %dma_wait3A_231 = tpu.memref_squeeze %dma_wait3A_230 : memref<1x81x128xf32, #tpu.memory_space<hbm>> -> memref<81x128xf32, #tpu.memory_space<hbm>>
            %dma_wait3A_232 = arith.constant 0 : i32
            %dma_wait3A_233 = arith.constant 0 : i32
            %dma_wait3A_234 = tpu.memref_slice %arg2[%dma_wait3A_227, %dma_wait3A_232, %dma_wait3A_233] : memref<784x81x5000xf32, #tpu.memory_space<hbm>> -> memref<1x81x128xf32, #tpu.memory_space<hbm>>
            %dma_wait3A_235 = tpu.memref_squeeze %dma_wait3A_234 : memref<1x81x128xf32, #tpu.memory_space<hbm>> -> memref<81x128xf32, #tpu.memory_space<hbm>>
            tpu.wait_dma2 semaphore(%arg13 : memref<!tpu.dma_semaphore, #tpu.memory_space<semaphore_mem>>) src(%dma_wait3A_235 : memref<81x128xf32, #tpu.memory_space<hbm>>) dst(%arg8 : memref<81x128xf32, #tpu.memory_space<vmem>>)
            %add3A_236 = arith.constant 6 : i32
            %add3A_237 = arith.addi %scan3A_100, %add3A_236 : i32
            %sub3A_238 = arith.constant 1 : i32
            %sub3A_239 = arith.subi %add3A_237, %sub3A_238 : i32
            %lt3A_240 = arith.constant 112 : i32
            %lt3A_241 = arith.cmpi slt, %sub3A_239, %lt3A_240 : i32
            %convert_element_type3A_242 = arith.extui %lt3A_241 : i1 to i32
            %cond3A_243 = arith.constant 0 : i32
            %cond3A_244 = arith.cmpi ne, %convert_element_type3A_242, %cond3A_243 : i32
            scf.if %cond3A_244 {
              %add3A_392 = arith.constant 6 : i32
              %add3A_393 = arith.addi %scan3A_100, %add3A_392 : i32
              %sub3A_394 = arith.constant 1 : i32
              %sub3A_395 = arith.subi %add3A_393, %sub3A_394 : i32
              %add3A_396 = arith.addi %multiple_of3A_47, %sub3A_395 : i32
              %dma_start3A_397 = arith.constant 0 : i32
              %dma_start3A_398 = tpu.memref_slice %arg2[%add3A_396, %dma_start3A_397, %multiple_of3A] : memref<784x81x5000xf32, #tpu.memory_space<hbm>> -> memref<1x81x128xf32, #tpu.memory_space<hbm>>
              %dma_start3A_399 = tpu.memref_squeeze %dma_start3A_398 : memref<1x81x128xf32, #tpu.memory_space<hbm>> -> memref<81x128xf32, #tpu.memory_space<hbm>>
              %dma_start3A_400 = arith.constant 0 : i32
              %dma_start3A_401 = tpu.memref_slice %arg2[%add3A_396, %dma_start3A_400, %multiple_of3A] : memref<784x81x5000xf32, #tpu.memory_space<hbm>> -> memref<1x81x128xf32, #tpu.memory_space<hbm>>
              %dma_start3A_402 = tpu.memref_squeeze %dma_start3A_401 : memref<1x81x128xf32, #tpu.memory_space<hbm>> -> memref<81x128xf32, #tpu.memory_space<hbm>>
              tpu.enqueue_dma source(%dma_start3A_402 : memref<81x128xf32, #tpu.memory_space<hbm>>) target(%arg7 : memref<81x128xf32, #tpu.memory_space<vmem>>) target_semaphore(%arg13 : memref<!tpu.dma_semaphore, #tpu.memory_space<semaphore_mem>>)
            } else {
            }
            %get3A = arith.constant 0 : index
            %get3A_245 = tpu.vector_load %arg5[%get3A] {strides = array<i32>} : memref<128xi32, #tpu.memory_space<vmem>>, vector<16xi32>,
            %add3A_246 = arith.constant 0 : i32
            %add3A_247 = vector.broadcast %add3A_246 : i32 to vector<16xi32>
            %add3A_248 = arith.addi %add3A_247, %iota3A : vector<16xi32>
            %gather3A = tpu.vector_load_idx %arg8[%get3A_245, %add3A_248] : memref<81x128xf32, #tpu.memory_space<vmem>>[vector<16xi32>, vector<16xi32>], vector<16xf32>,
            %neg3A = arith.constant 0.000000e+00 : f32
            %neg3A_249 = vector.broadcast %neg3A : f32 to vector<16xf32>
            %neg3A_250 = arith.subf %neg3A_249, %gather3A : vector<16xf32>
            %exp3A = math.exp %neg3A_250 : vector<16xf32>
            %add3A_251 = arith.constant 1.000000e+00 : f32
            %add3A_252 = vector.broadcast %add3A_251 : f32 to vector<16xf32>
            %add3A_253 = arith.addf %add3A_252, %exp3A : vector<16xf32>
            %div3A_254 = arith.constant 1.000000e+00 : f32
            %div3A_255 = vector.broadcast %div3A_254 : f32 to vector<16xf32>
            %div3A_256 = arith.divf %div3A_255, %add3A_253 : vector<16xf32>
            %swap3A = arith.index_cast %scan3A_100 : i32 to index
            %swap3A_257 = arith.constant 0 : index
            %swap3A_258 = tpu.vector_load %arg12[%swap3A, %swap3A_257] {strides = array<i32>} : memref<112x128xf32, #tpu.memory_space<vmem>>, vector<16xf32>,
            tpu.vector_store %arg12[%swap3A, %swap3A_257], %div3A_256 {strides = array<i32>} : memref<112x128xf32, #tpu.memory_space<vmem>>, vector<16xf32>,
            %get3A_259 = arith.constant 16 : index
            %get3A_260 = tpu.vector_load %arg5[%get3A_259] {strides = array<i32>} : memref<128xi32, #tpu.memory_space<vmem>>, vector<16xi32>,
            %add3A_261 = arith.constant 16 : i32
            %add3A_262 = vector.broadcast %add3A_261 : i32 to vector<16xi32>
            %add3A_263 = arith.addi %add3A_262, %iota3A : vector<16xi32>
            %gather3A_264 = tpu.vector_load_idx %arg8[%get3A_260, %add3A_263] : memref<81x128xf32, #tpu.memory_space<vmem>>[vector<16xi32>, vector<16xi32>], vector<16xf32>,
            %neg3A_265 = arith.constant 0.000000e+00 : f32
            %neg3A_266 = vector.broadcast %neg3A_265 : f32 to vector<16xf32>
            %neg3A_267 = arith.subf %neg3A_266, %gather3A_264 : vector<16xf32>
            %exp3A_268 = math.exp %neg3A_267 : vector<16xf32>
            %add3A_269 = arith.constant 1.000000e+00 : f32
            %add3A_270 = vector.broadcast %add3A_269 : f32 to vector<16xf32>
            %add3A_271 = arith.addf %add3A_270, %exp3A_268 : vector<16xf32>
            %div3A_272 = arith.constant 1.000000e+00 : f32
            %div3A_273 = vector.broadcast %div3A_272 : f32 to vector<16xf32>
            %div3A_274 = arith.divf %div3A_273, %add3A_271 : vector<16xf32>
            %swap3A_275 = arith.index_cast %scan3A_100 : i32 to index
            %swap3A_276 = arith.constant 16 : index
            %swap3A_277 = tpu.vector_load %arg12[%swap3A_275, %swap3A_276] {strides = array<i32>} : memref<112x128xf32, #tpu.memory_space<vmem>>, vector<16xf32>,
            tpu.vector_store %arg12[%swap3A_275, %swap3A_276], %div3A_274 {strides = array<i32>} : memref<112x128xf32, #tpu.memory_space<vmem>>, vector<16xf32>,
            %get3A_278 = arith.constant 32 : index
            %get3A_279 = tpu.vector_load %arg5[%get3A_278] {strides = array<i32>} : memref<128xi32, #tpu.memory_space<vmem>>, vector<16xi32>,
            %add3A_280 = arith.constant 32 : i32
            %add3A_281 = vector.broadcast %add3A_280 : i32 to vector<16xi32>
            %add3A_282 = arith.addi %add3A_281, %iota3A : vector<16xi32>
            %gather3A_283 = tpu.vector_load_idx %arg8[%get3A_279, %add3A_282] : memref<81x128xf32, #tpu.memory_space<vmem>>[vector<16xi32>, vector<16xi32>], vector<16xf32>,
            %neg3A_284 = arith.constant 0.000000e+00 : f32
            %neg3A_285 = vector.broadcast %neg3A_284 : f32 to vector<16xf32>
            %neg3A_286 = arith.subf %neg3A_285, %gather3A_283 : vector<16xf32>
            %exp3A_287 = math.exp %neg3A_286 : vector<16xf32>
            %add3A_288 = arith.constant 1.000000e+00 : f32
            %add3A_289 = vector.broadcast %add3A_288 : f32 to vector<16xf32>
            %add3A_290 = arith.addf %add3A_289, %exp3A_287 : vector<16xf32>
            %div3A_291 = arith.constant 1.000000e+00 : f32
            %div3A_292 = vector.broadcast %div3A_291 : f32 to vector<16xf32>
            %div3A_293 = arith.divf %div3A_292, %add3A_290 : vector<16xf32>
            %swap3A_294 = arith.index_cast %scan3A_100 : i32 to index
            %swap3A_295 = arith.constant 32 : index
            %swap3A_296 = tpu.vector_load %arg12[%swap3A_294, %swap3A_295] {strides = array<i32>} : memref<112x128xf32, #tpu.memory_space<vmem>>, vector<16xf32>,
            tpu.vector_store %arg12[%swap3A_294, %swap3A_295], %div3A_293 {strides = array<i32>} : memref<112x128xf32, #tpu.memory_space<vmem>>, vector<16xf32>,
            %get3A_297 = arith.constant 48 : index
            %get3A_298 = tpu.vector_load %arg5[%get3A_297] {strides = array<i32>} : memref<128xi32, #tpu.memory_space<vmem>>, vector<16xi32>,
            %add3A_299 = arith.constant 48 : i32
            %add3A_300 = vector.broadcast %add3A_299 : i32 to vector<16xi32>
            %add3A_301 = arith.addi %add3A_300, %iota3A : vector<16xi32>
            %gather3A_302 = tpu.vector_load_idx %arg8[%get3A_298, %add3A_301] : memref<81x128xf32, #tpu.memory_space<vmem>>[vector<16xi32>, vector<16xi32>], vector<16xf32>,
            %neg3A_303 = arith.constant 0.000000e+00 : f32
            %neg3A_304 = vector.broadcast %neg3A_303 : f32 to vector<16xf32>
            %neg3A_305 = arith.subf %neg3A_304, %gather3A_302 : vector<16xf32>
            %exp3A_306 = math.exp %neg3A_305 : vector<16xf32>
            %add3A_307 = arith.constant 1.000000e+00 : f32
            %add3A_308 = vector.broadcast %add3A_307 : f32 to vector<16xf32>
            %add3A_309 = arith.addf %add3A_308, %exp3A_306 : vector<16xf32>
            %div3A_310 = arith.constant 1.000000e+00 : f32
            %div3A_311 = vector.broadcast %div3A_310 : f32 to vector<16xf32>
            %div3A_312 = arith.divf %div3A_311, %add3A_309 : vector<16xf32>
            %swap3A_313 = arith.index_cast %scan3A_100 : i32 to index
            %swap3A_314 = arith.constant 48 : index
            %swap3A_315 = tpu.vector_load %arg12[%swap3A_313, %swap3A_314] {strides = array<i32>} : memref<112x128xf32, #tpu.memory_space<vmem>>, vector<16xf32>,
            tpu.vector_store %arg12[%swap3A_313, %swap3A_314], %div3A_312 {strides = array<i32>} : memref<112x128xf32, #tpu.memory_space<vmem>>, vector<16xf32>,
            %get3A_316 = arith.constant 64 : index
            %get3A_317 = tpu.vector_load %arg5[%get3A_316] {strides = array<i32>} : memref<128xi32, #tpu.memory_space<vmem>>, vector<16xi32>,
            %add3A_318 = arith.constant 64 : i32
            %add3A_319 = vector.broadcast %add3A_318 : i32 to vector<16xi32>
            %add3A_320 = arith.addi %add3A_319, %iota3A : vector<16xi32>
            %gather3A_321 = tpu.vector_load_idx %arg8[%get3A_317, %add3A_320] : memref<81x128xf32, #tpu.memory_space<vmem>>[vector<16xi32>, vector<16xi32>], vector<16xf32>,
            %neg3A_322 = arith.constant 0.000000e+00 : f32
            %neg3A_323 = vector.broadcast %neg3A_322 : f32 to vector<16xf32>
            %neg3A_324 = arith.subf %neg3A_323, %gather3A_321 : vector<16xf32>
            %exp3A_325 = math.exp %neg3A_324 : vector<16xf32>
            %add3A_326 = arith.constant 1.000000e+00 : f32
            %add3A_327 = vector.broadcast %add3A_326 : f32 to vector<16xf32>
            %add3A_328 = arith.addf %add3A_327, %exp3A_325 : vector<16xf32>
            %div3A_329 = arith.constant 1.000000e+00 : f32
            %div3A_330 = vector.broadcast %div3A_329 : f32 to vector<16xf32>
            %div3A_331 = arith.divf %div3A_330, %add3A_328 : vector<16xf32>
            %swap3A_332 = arith.index_cast %scan3A_100 : i32 to index
            %swap3A_333 = arith.constant 64 : index
            %swap3A_334 = tpu.vector_load %arg12[%swap3A_332, %swap3A_333] {strides = array<i32>} : memref<112x128xf32, #tpu.memory_space<vmem>>, vector<16xf32>,
            tpu.vector_store %arg12[%swap3A_332, %swap3A_333], %div3A_331 {strides = array<i32>} : memref<112x128xf32, #tpu.memory_space<vmem>>, vector<16xf32>,
            %get3A_335 = arith.constant 80 : index
            %get3A_336 = tpu.vector_load %arg5[%get3A_335] {strides = array<i32>} : memref<128xi32, #tpu.memory_space<vmem>>, vector<16xi32>,
            %add3A_337 = arith.constant 80 : i32
            %add3A_338 = vector.broadcast %add3A_337 : i32 to vector<16xi32>
            %add3A_339 = arith.addi %add3A_338, %iota3A : vector<16xi32>
            %gather3A_340 = tpu.vector_load_idx %arg8[%get3A_336, %add3A_339] : memref<81x128xf32, #tpu.memory_space<vmem>>[vector<16xi32>, vector<16xi32>], vector<16xf32>,
            %neg3A_341 = arith.constant 0.000000e+00 : f32
            %neg3A_342 = vector.broadcast %neg3A_341 : f32 to vector<16xf32>
            %neg3A_343 = arith.subf %neg3A_342, %gather3A_340 : vector<16xf32>
            %exp3A_344 = math.exp %neg3A_343 : vector<16xf32>
            %add3A_345 = arith.constant 1.000000e+00 : f32
            %add3A_346 = vector.broadcast %add3A_345 : f32 to vector<16xf32>
            %add3A_347 = arith.addf %add3A_346, %exp3A_344 : vector<16xf32>
            %div3A_348 = arith.constant 1.000000e+00 : f32
            %div3A_349 = vector.broadcast %div3A_348 : f32 to vector<16xf32>
            %div3A_350 = arith.divf %div3A_349, %add3A_347 : vector<16xf32>
            %swap3A_351 = arith.index_cast %scan3A_100 : i32 to index
            %swap3A_352 = arith.constant 80 : index
            %swap3A_353 = tpu.vector_load %arg12[%swap3A_351, %swap3A_352] {strides = array<i32>} : memref<112x128xf32, #tpu.memory_space<vmem>>, vector<16xf32>,
            tpu.vector_store %arg12[%swap3A_351, %swap3A_352], %div3A_350 {strides = array<i32>} : memref<112x128xf32, #tpu.memory_space<vmem>>, vector<16xf32>,
            %get3A_354 = arith.constant 96 : index
            %get3A_355 = tpu.vector_load %arg5[%get3A_354] {strides = array<i32>} : memref<128xi32, #tpu.memory_space<vmem>>, vector<16xi32>,
            %add3A_356 = arith.constant 96 : i32
            %add3A_357 = vector.broadcast %add3A_356 : i32 to vector<16xi32>
            %add3A_358 = arith.addi %add3A_357, %iota3A : vector<16xi32>
            %gather3A_359 = tpu.vector_load_idx %arg8[%get3A_355, %add3A_358] : memref<81x128xf32, #tpu.memory_space<vmem>>[vector<16xi32>, vector<16xi32>], vector<16xf32>,
            %neg3A_360 = arith.constant 0.000000e+00 : f32
            %neg3A_361 = vector.broadcast %neg3A_360 : f32 to vector<16xf32>
            %neg3A_362 = arith.subf %neg3A_361, %gather3A_359 : vector<16xf32>
            %exp3A_363 = math.exp %neg3A_362 : vector<16xf32>
            %add3A_364 = arith.constant 1.000000e+00 : f32
            %add3A_365 = vector.broadcast %add3A_364 : f32 to vector<16xf32>
            %add3A_366 = arith.addf %add3A_365, %exp3A_363 : vector<16xf32>
            %div3A_367 = arith.constant 1.000000e+00 : f32
            %div3A_368 = vector.broadcast %div3A_367 : f32 to vector<16xf32>
            %div3A_369 = arith.divf %div3A_368, %add3A_366 : vector<16xf32>
            %swap3A_370 = arith.index_cast %scan3A_100 : i32 to index
            %swap3A_371 = arith.constant 96 : index
            %swap3A_372 = tpu.vector_load %arg12[%swap3A_370, %swap3A_371] {strides = array<i32>} : memref<112x128xf32, #tpu.memory_space<vmem>>, vector<16xf32>,
            tpu.vector_store %arg12[%swap3A_370, %swap3A_371], %div3A_369 {strides = array<i32>} : memref<112x128xf32, #tpu.memory_space<vmem>>, vector<16xf32>,
            %get3A_373 = arith.constant 112 : index
            %get3A_374 = tpu.vector_load %arg5[%get3A_373] {strides = array<i32>} : memref<128xi32, #tpu.memory_space<vmem>>, vector<16xi32>,
            %add3A_375 = arith.constant 112 : i32
            %add3A_376 = vector.broadcast %add3A_375 : i32 to vector<16xi32>
            %add3A_377 = arith.addi %add3A_376, %iota3A : vector<16xi32>
            %gather3A_378 = tpu.vector_load_idx %arg8[%get3A_374, %add3A_377] : memref<81x128xf32, #tpu.memory_space<vmem>>[vector<16xi32>, vector<16xi32>], vector<16xf32>,
            %neg3A_379 = arith.constant 0.000000e+00 : f32
            %neg3A_380 = vector.broadcast %neg3A_379 : f32 to vector<16xf32>
            %neg3A_381 = arith.subf %neg3A_380, %gather3A_378 : vector<16xf32>
            %exp3A_382 = math.exp %neg3A_381 : vector<16xf32>
            %add3A_383 = arith.constant 1.000000e+00 : f32
            %add3A_384 = vector.broadcast %add3A_383 : f32 to vector<16xf32>
            %add3A_385 = arith.addf %add3A_384, %exp3A_382 : vector<16xf32>
            %div3A_386 = arith.constant 1.000000e+00 : f32
            %div3A_387 = vector.broadcast %div3A_386 : f32 to vector<16xf32>
            %div3A_388 = arith.divf %div3A_387, %add3A_385 : vector<16xf32>
            %swap3A_389 = arith.index_cast %scan3A_100 : i32 to index
            %swap3A_390 = arith.constant 112 : index
            %swap3A_391 = tpu.vector_load %arg12[%swap3A_389, %swap3A_390] {strides = array<i32>} : memref<112x128xf32, #tpu.memory_space<vmem>>, vector<16xf32>,
            tpu.vector_store %arg12[%swap3A_389, %swap3A_390], %div3A_388 {strides = array<i32>} : memref<112x128xf32, #tpu.memory_space<vmem>>, vector<16xf32>,
          } else {
          }
          %jit3A_164 = arith.constant 6 : i32
          %eq3A_165 = arith.constant 0 : i32
          %eq3A_166 = arith.cmpi eq, %jit3A_164, %eq3A_165 : i32
          %jit3A_167 = arith.constant 1 : i32
          %select_n3A_168 = arith.select %eq3A_166, %jit3A_167, %jit3A_164 : i32
          %rem3A_169 = arith.remsi %scan3A_100, %select_n3A_168 : i32
          %ne3A_170 = arith.constant 0 : i32
          %ne3A_171 = arith.cmpi ne, %rem3A_169, %ne3A_170 : i32
          %lt3A_172 = arith.constant 0 : i32
          %lt3A_173 = arith.cmpi slt, %rem3A_169, %lt3A_172 : i32
          %lt3A_174 = arith.constant 0 : i32
          %lt3A_175 = arith.cmpi slt, %select_n3A_168, %lt3A_174 : i32
          %ne3A_176 = arith.xori %lt3A_173, %lt3A_175 : i1
          %and3A_177 = arith.andi %ne3A_176, %ne3A_171 : i1
          %add3A_178 = arith.addi %rem3A_169, %select_n3A_168 : i32
          %select_n3A_179 = arith.select %and3A_177, %add3A_178, %rem3A_169 : i32
          %eq3A_180 = arith.constant 3 : i32
          %eq3A_181 = arith.cmpi eq, %select_n3A_179, %eq3A_180 : i32
          %convert_element_type3A_182 = arith.extui %eq3A_181 : i1 to i32
          %cond3A_183 = arith.constant 0 : i32
          %cond3A_184 = arith.cmpi ne, %convert_element_type3A_182, %cond3A_183 : i32
          scf.if %cond3A_184 {
            %dma_wait3A_227 = arith.constant 0 : i32
            %dma_wait3A_228 = arith.constant 0 : i32
            %dma_wait3A_229 = arith.constant 0 : i32
            %dma_wait3A_230 = tpu.memref_slice %arg2[%dma_wait3A_227, %dma_wait3A_228, %dma_wait3A_229] : memref<784x81x5000xf32, #tpu.memory_space<hbm>> -> memref<1x81x128xf32, #tpu.memory_space<hbm>>
            %dma_wait3A_231 = tpu.memref_squeeze %dma_wait3A_230 : memref<1x81x128xf32, #tpu.memory_space<hbm>> -> memref<81x128xf32, #tpu.memory_space<hbm>>
            %dma_wait3A_232 = arith.constant 0 : i32
            %dma_wait3A_233 = arith.constant 0 : i32
            %dma_wait3A_234 = tpu.memref_slice %arg2[%dma_wait3A_227, %dma_wait3A_232, %dma_wait3A_233] : memref<784x81x5000xf32, #tpu.memory_space<hbm>> -> memref<1x81x128xf32, #tpu.memory_space<hbm>>
            %dma_wait3A_235 = tpu.memref_squeeze %dma_wait3A_234 : memref<1x81x128xf32, #tpu.memory_space<hbm>> -> memref<81x128xf32, #tpu.memory_space<hbm>>
            tpu.wait_dma2 semaphore(%arg13 : memref<!tpu.dma_semaphore, #tpu.memory_space<semaphore_mem>>) src(%dma_wait3A_235 : memref<81x128xf32, #tpu.memory_space<hbm>>) dst(%arg9 : memref<81x128xf32, #tpu.memory_space<vmem>>)
            %add3A_236 = arith.constant 6 : i32
            %add3A_237 = arith.addi %scan3A_100, %add3A_236 : i32
            %sub3A_238 = arith.constant 1 : i32
            %sub3A_239 = arith.subi %add3A_237, %sub3A_238 : i32
            %lt3A_240 = arith.constant 112 : i32
            %lt3A_241 = arith.cmpi slt, %sub3A_239, %lt3A_240 : i32
            %convert_element_type3A_242 = arith.extui %lt3A_241 : i1 to i32
            %cond3A_243 = arith.constant 0 : i32
            %cond3A_244 = arith.cmpi ne, %convert_element_type3A_242, %cond3A_243 : i32
            scf.if %cond3A_244 {
              %add3A_392 = arith.constant 6 : i32
              %add3A_393 = arith.addi %scan3A_100, %add3A_392 : i32
              %sub3A_394 = arith.constant 1 : i32
              %sub3A_395 = arith.subi %add3A_393, %sub3A_394 : i32
              %add3A_396 = arith.addi %multiple_of3A_47, %sub3A_395 : i32
              %dma_start3A_397 = arith.constant 0 : i32
              %dma_start3A_398 = tpu.memref_slice %arg2[%add3A_396, %dma_start3A_397, %multiple_of3A] : memref<784x81x5000xf32, #tpu.memory_space<hbm>> -> memref<1x81x128xf32, #tpu.memory_space<hbm>>
              %dma_start3A_399 = tpu.memref_squeeze %dma_start3A_398 : memref<1x81x128xf32, #tpu.memory_space<hbm>> -> memref<81x128xf32, #tpu.memory_space<hbm>>
              %dma_start3A_400 = arith.constant 0 : i32
              %dma_start3A_401 = tpu.memref_slice %arg2[%add3A_396, %dma_start3A_400, %multiple_of3A] : memref<784x81x5000xf32, #tpu.memory_space<hbm>> -> memref<1x81x128xf32, #tpu.memory_space<hbm>>
              %dma_start3A_402 = tpu.memref_squeeze %dma_start3A_401 : memref<1x81x128xf32, #tpu.memory_space<hbm>> -> memref<81x128xf32, #tpu.memory_space<hbm>>
              tpu.enqueue_dma source(%dma_start3A_402 : memref<81x128xf32, #tpu.memory_space<hbm>>) target(%arg8 : memref<81x128xf32, #tpu.memory_space<vmem>>) target_semaphore(%arg13 : memref<!tpu.dma_semaphore, #tpu.memory_space<semaphore_mem>>)
            } else {
            }
            %get3A = arith.constant 0 : index
            %get3A_245 = tpu.vector_load %arg5[%get3A] {strides = array<i32>} : memref<128xi32, #tpu.memory_space<vmem>>, vector<16xi32>,
            %add3A_246 = arith.constant 0 : i32
            %add3A_247 = vector.broadcast %add3A_246 : i32 to vector<16xi32>
            %add3A_248 = arith.addi %add3A_247, %iota3A : vector<16xi32>
            %gather3A = tpu.vector_load_idx %arg9[%get3A_245, %add3A_248] : memref<81x128xf32, #tpu.memory_space<vmem>>[vector<16xi32>, vector<16xi32>], vector<16xf32>,
            %neg3A = arith.constant 0.000000e+00 : f32
            %neg3A_249 = vector.broadcast %neg3A : f32 to vector<16xf32>
            %neg3A_250 = arith.subf %neg3A_249, %gather3A : vector<16xf32>
            %exp3A = math.exp %neg3A_250 : vector<16xf32>
            %add3A_251 = arith.constant 1.000000e+00 : f32
            %add3A_252 = vector.broadcast %add3A_251 : f32 to vector<16xf32>
            %add3A_253 = arith.addf %add3A_252, %exp3A : vector<16xf32>
            %div3A_254 = arith.constant 1.000000e+00 : f32
            %div3A_255 = vector.broadcast %div3A_254 : f32 to vector<16xf32>
            %div3A_256 = arith.divf %div3A_255, %add3A_253 : vector<16xf32>
            %swap3A = arith.index_cast %scan3A_100 : i32 to index
            %swap3A_257 = arith.constant 0 : index
            %swap3A_258 = tpu.vector_load %arg12[%swap3A, %swap3A_257] {strides = array<i32>} : memref<112x128xf32, #tpu.memory_space<vmem>>, vector<16xf32>,
            tpu.vector_store %arg12[%swap3A, %swap3A_257], %div3A_256 {strides = array<i32>} : memref<112x128xf32, #tpu.memory_space<vmem>>, vector<16xf32>,
            %get3A_259 = arith.constant 16 : index
            %get3A_260 = tpu.vector_load %arg5[%get3A_259] {strides = array<i32>} : memref<128xi32, #tpu.memory_space<vmem>>, vector<16xi32>,
            %add3A_261 = arith.constant 16 : i32
            %add3A_262 = vector.broadcast %add3A_261 : i32 to vector<16xi32>
            %add3A_263 = arith.addi %add3A_262, %iota3A : vector<16xi32>
            %gather3A_264 = tpu.vector_load_idx %arg9[%get3A_260, %add3A_263] : memref<81x128xf32, #tpu.memory_space<vmem>>[vector<16xi32>, vector<16xi32>], vector<16xf32>,
            %neg3A_265 = arith.constant 0.000000e+00 : f32
            %neg3A_266 = vector.broadcast %neg3A_265 : f32 to vector<16xf32>
            %neg3A_267 = arith.subf %neg3A_266, %gather3A_264 : vector<16xf32>
            %exp3A_268 = math.exp %neg3A_267 : vector<16xf32>
            %add3A_269 = arith.constant 1.000000e+00 : f32
            %add3A_270 = vector.broadcast %add3A_269 : f32 to vector<16xf32>
            %add3A_271 = arith.addf %add3A_270, %exp3A_268 : vector<16xf32>
            %div3A_272 = arith.constant 1.000000e+00 : f32
            %div3A_273 = vector.broadcast %div3A_272 : f32 to vector<16xf32>
            %div3A_274 = arith.divf %div3A_273, %add3A_271 : vector<16xf32>
            %swap3A_275 = arith.index_cast %scan3A_100 : i32 to index
            %swap3A_276 = arith.constant 16 : index
            %swap3A_277 = tpu.vector_load %arg12[%swap3A_275, %swap3A_276] {strides = array<i32>} : memref<112x128xf32, #tpu.memory_space<vmem>>, vector<16xf32>,
            tpu.vector_store %arg12[%swap3A_275, %swap3A_276], %div3A_274 {strides = array<i32>} : memref<112x128xf32, #tpu.memory_space<vmem>>, vector<16xf32>,
            %get3A_278 = arith.constant 32 : index
            %get3A_279 = tpu.vector_load %arg5[%get3A_278] {strides = array<i32>} : memref<128xi32, #tpu.memory_space<vmem>>, vector<16xi32>,
            %add3A_280 = arith.constant 32 : i32
            %add3A_281 = vector.broadcast %add3A_280 : i32 to vector<16xi32>
            %add3A_282 = arith.addi %add3A_281, %iota3A : vector<16xi32>
            %gather3A_283 = tpu.vector_load_idx %arg9[%get3A_279, %add3A_282] : memref<81x128xf32, #tpu.memory_space<vmem>>[vector<16xi32>, vector<16xi32>], vector<16xf32>,
            %neg3A_284 = arith.constant 0.000000e+00 : f32
            %neg3A_285 = vector.broadcast %neg3A_284 : f32 to vector<16xf32>
            %neg3A_286 = arith.subf %neg3A_285, %gather3A_283 : vector<16xf32>
            %exp3A_287 = math.exp %neg3A_286 : vector<16xf32>
            %add3A_288 = arith.constant 1.000000e+00 : f32
            %add3A_289 = vector.broadcast %add3A_288 : f32 to vector<16xf32>
            %add3A_290 = arith.addf %add3A_289, %exp3A_287 : vector<16xf32>
            %div3A_291 = arith.constant 1.000000e+00 : f32
            %div3A_292 = vector.broadcast %div3A_291 : f32 to vector<16xf32>
            %div3A_293 = arith.divf %div3A_292, %add3A_290 : vector<16xf32>
            %swap3A_294 = arith.index_cast %scan3A_100 : i32 to index
            %swap3A_295 = arith.constant 32 : index
            %swap3A_296 = tpu.vector_load %arg12[%swap3A_294, %swap3A_295] {strides = array<i32>} : memref<112x128xf32, #tpu.memory_space<vmem>>, vector<16xf32>,
            tpu.vector_store %arg12[%swap3A_294, %swap3A_295], %div3A_293 {strides = array<i32>} : memref<112x128xf32, #tpu.memory_space<vmem>>, vector<16xf32>,
            %get3A_297 = arith.constant 48 : index
            %get3A_298 = tpu.vector_load %arg5[%get3A_297] {strides = array<i32>} : memref<128xi32, #tpu.memory_space<vmem>>, vector<16xi32>,
            %add3A_299 = arith.constant 48 : i32
            %add3A_300 = vector.broadcast %add3A_299 : i32 to vector<16xi32>
            %add3A_301 = arith.addi %add3A_300, %iota3A : vector<16xi32>
            %gather3A_302 = tpu.vector_load_idx %arg9[%get3A_298, %add3A_301] : memref<81x128xf32, #tpu.memory_space<vmem>>[vector<16xi32>, vector<16xi32>], vector<16xf32>,
            %neg3A_303 = arith.constant 0.000000e+00 : f32
            %neg3A_304 = vector.broadcast %neg3A_303 : f32 to vector<16xf32>
            %neg3A_305 = arith.subf %neg3A_304, %gather3A_302 : vector<16xf32>
            %exp3A_306 = math.exp %neg3A_305 : vector<16xf32>
            %add3A_307 = arith.constant 1.000000e+00 : f32
            %add3A_308 = vector.broadcast %add3A_307 : f32 to vector<16xf32>
            %add3A_309 = arith.addf %add3A_308, %exp3A_306 : vector<16xf32>
            %div3A_310 = arith.constant 1.000000e+00 : f32
            %div3A_311 = vector.broadcast %div3A_310 : f32 to vector<16xf32>
            %div3A_312 = arith.divf %div3A_311, %add3A_309 : vector<16xf32>
            %swap3A_313 = arith.index_cast %scan3A_100 : i32 to index
            %swap3A_314 = arith.constant 48 : index
            %swap3A_315 = tpu.vector_load %arg12[%swap3A_313, %swap3A_314] {strides = array<i32>} : memref<112x128xf32, #tpu.memory_space<vmem>>, vector<16xf32>,
            tpu.vector_store %arg12[%swap3A_313, %swap3A_314], %div3A_312 {strides = array<i32>} : memref<112x128xf32, #tpu.memory_space<vmem>>, vector<16xf32>,
            %get3A_316 = arith.constant 64 : index
            %get3A_317 = tpu.vector_load %arg5[%get3A_316] {strides = array<i32>} : memref<128xi32, #tpu.memory_space<vmem>>, vector<16xi32>,
            %add3A_318 = arith.constant 64 : i32
            %add3A_319 = vector.broadcast %add3A_318 : i32 to vector<16xi32>
            %add3A_320 = arith.addi %add3A_319, %iota3A : vector<16xi32>
            %gather3A_321 = tpu.vector_load_idx %arg9[%get3A_317, %add3A_320] : memref<81x128xf32, #tpu.memory_space<vmem>>[vector<16xi32>, vector<16xi32>], vector<16xf32>,
            %neg3A_322 = arith.constant 0.000000e+00 : f32
            %neg3A_323 = vector.broadcast %neg3A_322 : f32 to vector<16xf32>
            %neg3A_324 = arith.subf %neg3A_323, %gather3A_321 : vector<16xf32>
            %exp3A_325 = math.exp %neg3A_324 : vector<16xf32>
            %add3A_326 = arith.constant 1.000000e+00 : f32
            %add3A_327 = vector.broadcast %add3A_326 : f32 to vector<16xf32>
            %add3A_328 = arith.addf %add3A_327, %exp3A_325 : vector<16xf32>
            %div3A_329 = arith.constant 1.000000e+00 : f32
            %div3A_330 = vector.broadcast %div3A_329 : f32 to vector<16xf32>
            %div3A_331 = arith.divf %div3A_330, %add3A_328 : vector<16xf32>
            %swap3A_332 = arith.index_cast %scan3A_100 : i32 to index
            %swap3A_333 = arith.constant 64 : index
            %swap3A_334 = tpu.vector_load %arg12[%swap3A_332, %swap3A_333] {strides = array<i32>} : memref<112x128xf32, #tpu.memory_space<vmem>>, vector<16xf32>,
            tpu.vector_store %arg12[%swap3A_332, %swap3A_333], %div3A_331 {strides = array<i32>} : memref<112x128xf32, #tpu.memory_space<vmem>>, vector<16xf32>,
            %get3A_335 = arith.constant 80 : index
            %get3A_336 = tpu.vector_load %arg5[%get3A_335] {strides = array<i32>} : memref<128xi32, #tpu.memory_space<vmem>>, vector<16xi32>,
            %add3A_337 = arith.constant 80 : i32
            %add3A_338 = vector.broadcast %add3A_337 : i32 to vector<16xi32>
            %add3A_339 = arith.addi %add3A_338, %iota3A : vector<16xi32>
            %gather3A_340 = tpu.vector_load_idx %arg9[%get3A_336, %add3A_339] : memref<81x128xf32, #tpu.memory_space<vmem>>[vector<16xi32>, vector<16xi32>], vector<16xf32>,
            %neg3A_341 = arith.constant 0.000000e+00 : f32
            %neg3A_342 = vector.broadcast %neg3A_341 : f32 to vector<16xf32>
            %neg3A_343 = arith.subf %neg3A_342, %gather3A_340 : vector<16xf32>
            %exp3A_344 = math.exp %neg3A_343 : vector<16xf32>
            %add3A_345 = arith.constant 1.000000e+00 : f32
            %add3A_346 = vector.broadcast %add3A_345 : f32 to vector<16xf32>
            %add3A_347 = arith.addf %add3A_346, %exp3A_344 : vector<16xf32>
            %div3A_348 = arith.constant 1.000000e+00 : f32
            %div3A_349 = vector.broadcast %div3A_348 : f32 to vector<16xf32>
            %div3A_350 = arith.divf %div3A_349, %add3A_347 : vector<16xf32>
            %swap3A_351 = arith.index_cast %scan3A_100 : i32 to index
            %swap3A_352 = arith.constant 80 : index
            %swap3A_353 = tpu.vector_load %arg12[%swap3A_351, %swap3A_352] {strides = array<i32>} : memref<112x128xf32, #tpu.memory_space<vmem>>, vector<16xf32>,
            tpu.vector_store %arg12[%swap3A_351, %swap3A_352], %div3A_350 {strides = array<i32>} : memref<112x128xf32, #tpu.memory_space<vmem>>, vector<16xf32>,
            %get3A_354 = arith.constant 96 : index
            %get3A_355 = tpu.vector_load %arg5[%get3A_354] {strides = array<i32>} : memref<128xi32, #tpu.memory_space<vmem>>, vector<16xi32>,
            %add3A_356 = arith.constant 96 : i32
            %add3A_357 = vector.broadcast %add3A_356 : i32 to vector<16xi32>
            %add3A_358 = arith.addi %add3A_357, %iota3A : vector<16xi32>
            %gather3A_359 = tpu.vector_load_idx %arg9[%get3A_355, %add3A_358] : memref<81x128xf32, #tpu.memory_space<vmem>>[vector<16xi32>, vector<16xi32>], vector<16xf32>,
            %neg3A_360 = arith.constant 0.000000e+00 : f32
            %neg3A_361 = vector.broadcast %neg3A_360 : f32 to vector<16xf32>
            %neg3A_362 = arith.subf %neg3A_361, %gather3A_359 : vector<16xf32>
            %exp3A_363 = math.exp %neg3A_362 : vector<16xf32>
            %add3A_364 = arith.constant 1.000000e+00 : f32
            %add3A_365 = vector.broadcast %add3A_364 : f32 to vector<16xf32>
            %add3A_366 = arith.addf %add3A_365, %exp3A_363 : vector<16xf32>
            %div3A_367 = arith.constant 1.000000e+00 : f32
            %div3A_368 = vector.broadcast %div3A_367 : f32 to vector<16xf32>
            %div3A_369 = arith.divf %div3A_368, %add3A_366 : vector<16xf32>
            %swap3A_370 = arith.index_cast %scan3A_100 : i32 to index
            %swap3A_371 = arith.constant 96 : index
            %swap3A_372 = tpu.vector_load %arg12[%swap3A_370, %swap3A_371] {strides = array<i32>} : memref<112x128xf32, #tpu.memory_space<vmem>>, vector<16xf32>,
            tpu.vector_store %arg12[%swap3A_370, %swap3A_371], %div3A_369 {strides = array<i32>} : memref<112x128xf32, #tpu.memory_space<vmem>>, vector<16xf32>,
            %get3A_373 = arith.constant 112 : index
            %get3A_374 = tpu.vector_load %arg5[%get3A_373] {strides = array<i32>} : memref<128xi32, #tpu.memory_space<vmem>>, vector<16xi32>,
            %add3A_375 = arith.constant 112 : i32
            %add3A_376 = vector.broadcast %add3A_375 : i32 to vector<16xi32>
            %add3A_377 = arith.addi %add3A_376, %iota3A : vector<16xi32>
            %gather3A_378 = tpu.vector_load_idx %arg9[%get3A_374, %add3A_377] : memref<81x128xf32, #tpu.memory_space<vmem>>[vector<16xi32>, vector<16xi32>], vector<16xf32>,
            %neg3A_379 = arith.constant 0.000000e+00 : f32
            %neg3A_380 = vector.broadcast %neg3A_379 : f32 to vector<16xf32>
            %neg3A_381 = arith.subf %neg3A_380, %gather3A_378 : vector<16xf32>
            %exp3A_382 = math.exp %neg3A_381 : vector<16xf32>
            %add3A_383 = arith.constant 1.000000e+00 : f32
            %add3A_384 = vector.broadcast %add3A_383 : f32 to vector<16xf32>
            %add3A_385 = arith.addf %add3A_384, %exp3A_382 : vector<16xf32>
            %div3A_386 = arith.constant 1.000000e+00 : f32
            %div3A_387 = vector.broadcast %div3A_386 : f32 to vector<16xf32>
            %div3A_388 = arith.divf %div3A_387, %add3A_385 : vector<16xf32>
            %swap3A_389 = arith.index_cast %scan3A_100 : i32 to index
            %swap3A_390 = arith.constant 112 : index
            %swap3A_391 = tpu.vector_load %arg12[%swap3A_389, %swap3A_390] {strides = array<i32>} : memref<112x128xf32, #tpu.memory_space<vmem>>, vector<16xf32>,
            tpu.vector_store %arg12[%swap3A_389, %swap3A_390], %div3A_388 {strides = array<i32>} : memref<112x128xf32, #tpu.memory_space<vmem>>, vector<16xf32>,
          } else {
          }
          %jit3A_185 = arith.constant 6 : i32
          %eq3A_186 = arith.constant 0 : i32
          %eq3A_187 = arith.cmpi eq, %jit3A_185, %eq3A_186 : i32
          %jit3A_188 = arith.constant 1 : i32
          %select_n3A_189 = arith.select %eq3A_187, %jit3A_188, %jit3A_185 : i32
          %rem3A_190 = arith.remsi %scan3A_100, %select_n3A_189 : i32
          %ne3A_191 = arith.constant 0 : i32
          %ne3A_192 = arith.cmpi ne, %rem3A_190, %ne3A_191 : i32
          %lt3A_193 = arith.constant 0 : i32
          %lt3A_194 = arith.cmpi slt, %rem3A_190, %lt3A_193 : i32
          %lt3A_195 = arith.constant 0 : i32
          %lt3A_196 = arith.cmpi slt, %select_n3A_189, %lt3A_195 : i32
          %ne3A_197 = arith.xori %lt3A_194, %lt3A_196 : i1
          %and3A_198 = arith.andi %ne3A_197, %ne3A_192 : i1
          %add3A_199 = arith.addi %rem3A_190, %select_n3A_189 : i32
          %select_n3A_200 = arith.select %and3A_198, %add3A_199, %rem3A_190 : i32
          %eq3A_201 = arith.constant 4 : i32
          %eq3A_202 = arith.cmpi eq, %select_n3A_200, %eq3A_201 : i32
          %convert_element_type3A_203 = arith.extui %eq3A_202 : i1 to i32
          %cond3A_204 = arith.constant 0 : i32
          %cond3A_205 = arith.cmpi ne, %convert_element_type3A_203, %cond3A_204 : i32
          scf.if %cond3A_205 {
            %dma_wait3A_227 = arith.constant 0 : i32
            %dma_wait3A_228 = arith.constant 0 : i32
            %dma_wait3A_229 = arith.constant 0 : i32
            %dma_wait3A_230 = tpu.memref_slice %arg2[%dma_wait3A_227, %dma_wait3A_228, %dma_wait3A_229] : memref<784x81x5000xf32, #tpu.memory_space<hbm>> -> memref<1x81x128xf32, #tpu.memory_space<hbm>>
            %dma_wait3A_231 = tpu.memref_squeeze %dma_wait3A_230 : memref<1x81x128xf32, #tpu.memory_space<hbm>> -> memref<81x128xf32, #tpu.memory_space<hbm>>
            %dma_wait3A_232 = arith.constant 0 : i32
            %dma_wait3A_233 = arith.constant 0 : i32
            %dma_wait3A_234 = tpu.memref_slice %arg2[%dma_wait3A_227, %dma_wait3A_232, %dma_wait3A_233] : memref<784x81x5000xf32, #tpu.memory_space<hbm>> -> memref<1x81x128xf32, #tpu.memory_space<hbm>>
            %dma_wait3A_235 = tpu.memref_squeeze %dma_wait3A_234 : memref<1x81x128xf32, #tpu.memory_space<hbm>> -> memref<81x128xf32, #tpu.memory_space<hbm>>
            tpu.wait_dma2 semaphore(%arg13 : memref<!tpu.dma_semaphore, #tpu.memory_space<semaphore_mem>>) src(%dma_wait3A_235 : memref<81x128xf32, #tpu.memory_space<hbm>>) dst(%arg10 : memref<81x128xf32, #tpu.memory_space<vmem>>)
            %add3A_236 = arith.constant 6 : i32
            %add3A_237 = arith.addi %scan3A_100, %add3A_236 : i32
            %sub3A_238 = arith.constant 1 : i32
            %sub3A_239 = arith.subi %add3A_237, %sub3A_238 : i32
            %lt3A_240 = arith.constant 112 : i32
            %lt3A_241 = arith.cmpi slt, %sub3A_239, %lt3A_240 : i32
            %convert_element_type3A_242 = arith.extui %lt3A_241 : i1 to i32
            %cond3A_243 = arith.constant 0 : i32
            %cond3A_244 = arith.cmpi ne, %convert_element_type3A_242, %cond3A_243 : i32
            scf.if %cond3A_244 {
              %add3A_392 = arith.constant 6 : i32
              %add3A_393 = arith.addi %scan3A_100, %add3A_392 : i32
              %sub3A_394 = arith.constant 1 : i32
              %sub3A_395 = arith.subi %add3A_393, %sub3A_394 : i32
              %add3A_396 = arith.addi %multiple_of3A_47, %sub3A_395 : i32
              %dma_start3A_397 = arith.constant 0 : i32
              %dma_start3A_398 = tpu.memref_slice %arg2[%add3A_396, %dma_start3A_397, %multiple_of3A] : memref<784x81x5000xf32, #tpu.memory_space<hbm>> -> memref<1x81x128xf32, #tpu.memory_space<hbm>>
              %dma_start3A_399 = tpu.memref_squeeze %dma_start3A_398 : memref<1x81x128xf32, #tpu.memory_space<hbm>> -> memref<81x128xf32, #tpu.memory_space<hbm>>
              %dma_start3A_400 = arith.constant 0 : i32
              %dma_start3A_401 = tpu.memref_slice %arg2[%add3A_396, %dma_start3A_400, %multiple_of3A] : memref<784x81x5000xf32, #tpu.memory_space<hbm>> -> memref<1x81x128xf32, #tpu.memory_space<hbm>>
              %dma_start3A_402 = tpu.memref_squeeze %dma_start3A_401 : memref<1x81x128xf32, #tpu.memory_space<hbm>> -> memref<81x128xf32, #tpu.memory_space<hbm>>
              tpu.enqueue_dma source(%dma_start3A_402 : memref<81x128xf32, #tpu.memory_space<hbm>>) target(%arg9 : memref<81x128xf32, #tpu.memory_space<vmem>>) target_semaphore(%arg13 : memref<!tpu.dma_semaphore, #tpu.memory_space<semaphore_mem>>)
            } else {
            }
            %get3A = arith.constant 0 : index
            %get3A_245 = tpu.vector_load %arg5[%get3A] {strides = array<i32>} : memref<128xi32, #tpu.memory_space<vmem>>, vector<16xi32>,
            %add3A_246 = arith.constant 0 : i32
            %add3A_247 = vector.broadcast %add3A_246 : i32 to vector<16xi32>
            %add3A_248 = arith.addi %add3A_247, %iota3A : vector<16xi32>
            %gather3A = tpu.vector_load_idx %arg10[%get3A_245, %add3A_248] : memref<81x128xf32, #tpu.memory_space<vmem>>[vector<16xi32>, vector<16xi32>], vector<16xf32>,
            %neg3A = arith.constant 0.000000e+00 : f32
            %neg3A_249 = vector.broadcast %neg3A : f32 to vector<16xf32>
            %neg3A_250 = arith.subf %neg3A_249, %gather3A : vector<16xf32>
            %exp3A = math.exp %neg3A_250 : vector<16xf32>
            %add3A_251 = arith.constant 1.000000e+00 : f32
            %add3A_252 = vector.broadcast %add3A_251 : f32 to vector<16xf32>
            %add3A_253 = arith.addf %add3A_252, %exp3A : vector<16xf32>
            %div3A_254 = arith.constant 1.000000e+00 : f32
            %div3A_255 = vector.broadcast %div3A_254 : f32 to vector<16xf32>
            %div3A_256 = arith.divf %div3A_255, %add3A_253 : vector<16xf32>
            %swap3A = arith.index_cast %scan3A_100 : i32 to index
            %swap3A_257 = arith.constant 0 : index
            %swap3A_258 = tpu.vector_load %arg12[%swap3A, %swap3A_257] {strides = array<i32>} : memref<112x128xf32, #tpu.memory_space<vmem>>, vector<16xf32>,
            tpu.vector_store %arg12[%swap3A, %swap3A_257], %div3A_256 {strides = array<i32>} : memref<112x128xf32, #tpu.memory_space<vmem>>, vector<16xf32>,
            %get3A_259 = arith.constant 16 : index
            %get3A_260 = tpu.vector_load %arg5[%get3A_259] {strides = array<i32>} : memref<128xi32, #tpu.memory_space<vmem>>, vector<16xi32>,
            %add3A_261 = arith.constant 16 : i32
            %add3A_262 = vector.broadcast %add3A_261 : i32 to vector<16xi32>
            %add3A_263 = arith.addi %add3A_262, %iota3A : vector<16xi32>
            %gather3A_264 = tpu.vector_load_idx %arg10[%get3A_260, %add3A_263] : memref<81x128xf32, #tpu.memory_space<vmem>>[vector<16xi32>, vector<16xi32>], vector<16xf32>,
            %neg3A_265 = arith.constant 0.000000e+00 : f32
            %neg3A_266 = vector.broadcast %neg3A_265 : f32 to vector<16xf32>
            %neg3A_267 = arith.subf %neg3A_266, %gather3A_264 : vector<16xf32>
            %exp3A_268 = math.exp %neg3A_267 : vector<16xf32>
            %add3A_269 = arith.constant 1.000000e+00 : f32
            %add3A_270 = vector.broadcast %add3A_269 : f32 to vector<16xf32>
            %add3A_271 = arith.addf %add3A_270, %exp3A_268 : vector<16xf32>
            %div3A_272 = arith.constant 1.000000e+00 : f32
            %div3A_273 = vector.broadcast %div3A_272 : f32 to vector<16xf32>
            %div3A_274 = arith.divf %div3A_273, %add3A_271 : vector<16xf32>
            %swap3A_275 = arith.index_cast %scan3A_100 : i32 to index
            %swap3A_276 = arith.constant 16 : index
            %swap3A_277 = tpu.vector_load %arg12[%swap3A_275, %swap3A_276] {strides = array<i32>} : memref<112x128xf32, #tpu.memory_space<vmem>>, vector<16xf32>,
            tpu.vector_store %arg12[%swap3A_275, %swap3A_276], %div3A_274 {strides = array<i32>} : memref<112x128xf32, #tpu.memory_space<vmem>>, vector<16xf32>,
            %get3A_278 = arith.constant 32 : index
            %get3A_279 = tpu.vector_load %arg5[%get3A_278] {strides = array<i32>} : memref<128xi32, #tpu.memory_space<vmem>>, vector<16xi32>,
            %add3A_280 = arith.constant 32 : i32
            %add3A_281 = vector.broadcast %add3A_280 : i32 to vector<16xi32>
            %add3A_282 = arith.addi %add3A_281, %iota3A : vector<16xi32>
            %gather3A_283 = tpu.vector_load_idx %arg10[%get3A_279, %add3A_282] : memref<81x128xf32, #tpu.memory_space<vmem>>[vector<16xi32>, vector<16xi32>], vector<16xf32>,
            %neg3A_284 = arith.constant 0.000000e+00 : f32
            %neg3A_285 = vector.broadcast %neg3A_284 : f32 to vector<16xf32>
            %neg3A_286 = arith.subf %neg3A_285, %gather3A_283 : vector<16xf32>
            %exp3A_287 = math.exp %neg3A_286 : vector<16xf32>
            %add3A_288 = arith.constant 1.000000e+00 : f32
            %add3A_289 = vector.broadcast %add3A_288 : f32 to vector<16xf32>
            %add3A_290 = arith.addf %add3A_289, %exp3A_287 : vector<16xf32>
            %div3A_291 = arith.constant 1.000000e+00 : f32
            %div3A_292 = vector.broadcast %div3A_291 : f32 to vector<16xf32>
            %div3A_293 = arith.divf %div3A_292, %add3A_290 : vector<16xf32>
            %swap3A_294 = arith.index_cast %scan3A_100 : i32 to index
            %swap3A_295 = arith.constant 32 : index
            %swap3A_296 = tpu.vector_load %arg12[%swap3A_294, %swap3A_295] {strides = array<i32>} : memref<112x128xf32, #tpu.memory_space<vmem>>, vector<16xf32>,
            tpu.vector_store %arg12[%swap3A_294, %swap3A_295], %div3A_293 {strides = array<i32>} : memref<112x128xf32, #tpu.memory_space<vmem>>, vector<16xf32>,
            %get3A_297 = arith.constant 48 : index
            %get3A_298 = tpu.vector_load %arg5[%get3A_297] {strides = array<i32>} : memref<128xi32, #tpu.memory_space<vmem>>, vector<16xi32>,
            %add3A_299 = arith.constant 48 : i32
            %add3A_300 = vector.broadcast %add3A_299 : i32 to vector<16xi32>
            %add3A_301 = arith.addi %add3A_300, %iota3A : vector<16xi32>
            %gather3A_302 = tpu.vector_load_idx %arg10[%get3A_298, %add3A_301] : memref<81x128xf32, #tpu.memory_space<vmem>>[vector<16xi32>, vector<16xi32>], vector<16xf32>,
            %neg3A_303 = arith.constant 0.000000e+00 : f32
            %neg3A_304 = vector.broadcast %neg3A_303 : f32 to vector<16xf32>
            %neg3A_305 = arith.subf %neg3A_304, %gather3A_302 : vector<16xf32>
            %exp3A_306 = math.exp %neg3A_305 : vector<16xf32>
            %add3A_307 = arith.constant 1.000000e+00 : f32
            %add3A_308 = vector.broadcast %add3A_307 : f32 to vector<16xf32>
            %add3A_309 = arith.addf %add3A_308, %exp3A_306 : vector<16xf32>
            %div3A_310 = arith.constant 1.000000e+00 : f32
            %div3A_311 = vector.broadcast %div3A_310 : f32 to vector<16xf32>
            %div3A_312 = arith.divf %div3A_311, %add3A_309 : vector<16xf32>
            %swap3A_313 = arith.index_cast %scan3A_100 : i32 to index
            %swap3A_314 = arith.constant 48 : index
            %swap3A_315 = tpu.vector_load %arg12[%swap3A_313, %swap3A_314] {strides = array<i32>} : memref<112x128xf32, #tpu.memory_space<vmem>>, vector<16xf32>,
            tpu.vector_store %arg12[%swap3A_313, %swap3A_314], %div3A_312 {strides = array<i32>} : memref<112x128xf32, #tpu.memory_space<vmem>>, vector<16xf32>,
            %get3A_316 = arith.constant 64 : index
            %get3A_317 = tpu.vector_load %arg5[%get3A_316] {strides = array<i32>} : memref<128xi32, #tpu.memory_space<vmem>>, vector<16xi32>,
            %add3A_318 = arith.constant 64 : i32
            %add3A_319 = vector.broadcast %add3A_318 : i32 to vector<16xi32>
            %add3A_320 = arith.addi %add3A_319, %iota3A : vector<16xi32>
            %gather3A_321 = tpu.vector_load_idx %arg10[%get3A_317, %add3A_320] : memref<81x128xf32, #tpu.memory_space<vmem>>[vector<16xi32>, vector<16xi32>], vector<16xf32>,
            %neg3A_322 = arith.constant 0.000000e+00 : f32
            %neg3A_323 = vector.broadcast %neg3A_322 : f32 to vector<16xf32>
            %neg3A_324 = arith.subf %neg3A_323, %gather3A_321 : vector<16xf32>
            %exp3A_325 = math.exp %neg3A_324 : vector<16xf32>
            %add3A_326 = arith.constant 1.000000e+00 : f32
            %add3A_327 = vector.broadcast %add3A_326 : f32 to vector<16xf32>
            %add3A_328 = arith.addf %add3A_327, %exp3A_325 : vector<16xf32>
            %div3A_329 = arith.constant 1.000000e+00 : f32
            %div3A_330 = vector.broadcast %div3A_329 : f32 to vector<16xf32>
            %div3A_331 = arith.divf %div3A_330, %add3A_328 : vector<16xf32>
            %swap3A_332 = arith.index_cast %scan3A_100 : i32 to index
            %swap3A_333 = arith.constant 64 : index
            %swap3A_334 = tpu.vector_load %arg12[%swap3A_332, %swap3A_333] {strides = array<i32>} : memref<112x128xf32, #tpu.memory_space<vmem>>, vector<16xf32>,
            tpu.vector_store %arg12[%swap3A_332, %swap3A_333], %div3A_331 {strides = array<i32>} : memref<112x128xf32, #tpu.memory_space<vmem>>, vector<16xf32>,
            %get3A_335 = arith.constant 80 : index
            %get3A_336 = tpu.vector_load %arg5[%get3A_335] {strides = array<i32>} : memref<128xi32, #tpu.memory_space<vmem>>, vector<16xi32>,
            %add3A_337 = arith.constant 80 : i32
            %add3A_338 = vector.broadcast %add3A_337 : i32 to vector<16xi32>
            %add3A_339 = arith.addi %add3A_338, %iota3A : vector<16xi32>
            %gather3A_340 = tpu.vector_load_idx %arg10[%get3A_336, %add3A_339] : memref<81x128xf32, #tpu.memory_space<vmem>>[vector<16xi32>, vector<16xi32>], vector<16xf32>,
            %neg3A_341 = arith.constant 0.000000e+00 : f32
            %neg3A_342 = vector.broadcast %neg3A_341 : f32 to vector<16xf32>
            %neg3A_343 = arith.subf %neg3A_342, %gather3A_340 : vector<16xf32>
            %exp3A_344 = math.exp %neg3A_343 : vector<16xf32>
            %add3A_345 = arith.constant 1.000000e+00 : f32
            %add3A_346 = vector.broadcast %add3A_345 : f32 to vector<16xf32>
            %add3A_347 = arith.addf %add3A_346, %exp3A_344 : vector<16xf32>
            %div3A_348 = arith.constant 1.000000e+00 : f32
            %div3A_349 = vector.broadcast %div3A_348 : f32 to vector<16xf32>
            %div3A_350 = arith.divf %div3A_349, %add3A_347 : vector<16xf32>
            %swap3A_351 = arith.index_cast %scan3A_100 : i32 to index
            %swap3A_352 = arith.constant 80 : index
            %swap3A_353 = tpu.vector_load %arg12[%swap3A_351, %swap3A_352] {strides = array<i32>} : memref<112x128xf32, #tpu.memory_space<vmem>>, vector<16xf32>,
            tpu.vector_store %arg12[%swap3A_351, %swap3A_352], %div3A_350 {strides = array<i32>} : memref<112x128xf32, #tpu.memory_space<vmem>>, vector<16xf32>,
            %get3A_354 = arith.constant 96 : index
            %get3A_355 = tpu.vector_load %arg5[%get3A_354] {strides = array<i32>} : memref<128xi32, #tpu.memory_space<vmem>>, vector<16xi32>,
            %add3A_356 = arith.constant 96 : i32
            %add3A_357 = vector.broadcast %add3A_356 : i32 to vector<16xi32>
            %add3A_358 = arith.addi %add3A_357, %iota3A : vector<16xi32>
            %gather3A_359 = tpu.vector_load_idx %arg10[%get3A_355, %add3A_358] : memref<81x128xf32, #tpu.memory_space<vmem>>[vector<16xi32>, vector<16xi32>], vector<16xf32>,
            %neg3A_360 = arith.constant 0.000000e+00 : f32
            %neg3A_361 = vector.broadcast %neg3A_360 : f32 to vector<16xf32>
            %neg3A_362 = arith.subf %neg3A_361, %gather3A_359 : vector<16xf32>
            %exp3A_363 = math.exp %neg3A_362 : vector<16xf32>
            %add3A_364 = arith.constant 1.000000e+00 : f32
            %add3A_365 = vector.broadcast %add3A_364 : f32 to vector<16xf32>
            %add3A_366 = arith.addf %add3A_365, %exp3A_363 : vector<16xf32>
            %div3A_367 = arith.constant 1.000000e+00 : f32
            %div3A_368 = vector.broadcast %div3A_367 : f32 to vector<16xf32>
            %div3A_369 = arith.divf %div3A_368, %add3A_366 : vector<16xf32>
            %swap3A_370 = arith.index_cast %scan3A_100 : i32 to index
            %swap3A_371 = arith.constant 96 : index
            %swap3A_372 = tpu.vector_load %arg12[%swap3A_370, %swap3A_371] {strides = array<i32>} : memref<112x128xf32, #tpu.memory_space<vmem>>, vector<16xf32>,
            tpu.vector_store %arg12[%swap3A_370, %swap3A_371], %div3A_369 {strides = array<i32>} : memref<112x128xf32, #tpu.memory_space<vmem>>, vector<16xf32>,
            %get3A_373 = arith.constant 112 : index
            %get3A_374 = tpu.vector_load %arg5[%get3A_373] {strides = array<i32>} : memref<128xi32, #tpu.memory_space<vmem>>, vector<16xi32>,
            %add3A_375 = arith.constant 112 : i32
            %add3A_376 = vector.broadcast %add3A_375 : i32 to vector<16xi32>
            %add3A_377 = arith.addi %add3A_376, %iota3A : vector<16xi32>
            %gather3A_378 = tpu.vector_load_idx %arg10[%get3A_374, %add3A_377] : memref<81x128xf32, #tpu.memory_space<vmem>>[vector<16xi32>, vector<16xi32>], vector<16xf32>,
            %neg3A_379 = arith.constant 0.000000e+00 : f32
            %neg3A_380 = vector.broadcast %neg3A_379 : f32 to vector<16xf32>
            %neg3A_381 = arith.subf %neg3A_380, %gather3A_378 : vector<16xf32>
            %exp3A_382 = math.exp %neg3A_381 : vector<16xf32>
            %add3A_383 = arith.constant 1.000000e+00 : f32
            %add3A_384 = vector.broadcast %add3A_383 : f32 to vector<16xf32>
            %add3A_385 = arith.addf %add3A_384, %exp3A_382 : vector<16xf32>
            %div3A_386 = arith.constant 1.000000e+00 : f32
            %div3A_387 = vector.broadcast %div3A_386 : f32 to vector<16xf32>
            %div3A_388 = arith.divf %div3A_387, %add3A_385 : vector<16xf32>
            %swap3A_389 = arith.index_cast %scan3A_100 : i32 to index
            %swap3A_390 = arith.constant 112 : index
            %swap3A_391 = tpu.vector_load %arg12[%swap3A_389, %swap3A_390] {strides = array<i32>} : memref<112x128xf32, #tpu.memory_space<vmem>>, vector<16xf32>,
            tpu.vector_store %arg12[%swap3A_389, %swap3A_390], %div3A_388 {strides = array<i32>} : memref<112x128xf32, #tpu.memory_space<vmem>>, vector<16xf32>,
          } else {
          }
          %jit3A_206 = arith.constant 6 : i32
          %eq3A_207 = arith.constant 0 : i32
          %eq3A_208 = arith.cmpi eq, %jit3A_206, %eq3A_207 : i32
          %jit3A_209 = arith.constant 1 : i32
          %select_n3A_210 = arith.select %eq3A_208, %jit3A_209, %jit3A_206 : i32
          %rem3A_211 = arith.remsi %scan3A_100, %select_n3A_210 : i32
          %ne3A_212 = arith.constant 0 : i32
          %ne3A_213 = arith.cmpi ne, %rem3A_211, %ne3A_212 : i32
          %lt3A_214 = arith.constant 0 : i32
          %lt3A_215 = arith.cmpi slt, %rem3A_211, %lt3A_214 : i32
          %lt3A_216 = arith.constant 0 : i32
          %lt3A_217 = arith.cmpi slt, %select_n3A_210, %lt3A_216 : i32
          %ne3A_218 = arith.xori %lt3A_215, %lt3A_217 : i1
          %and3A_219 = arith.andi %ne3A_218, %ne3A_213 : i1
          %add3A_220 = arith.addi %rem3A_211, %select_n3A_210 : i32
          %select_n3A_221 = arith.select %and3A_219, %add3A_220, %rem3A_211 : i32
          %eq3A_222 = arith.constant 5 : i32
          %eq3A_223 = arith.cmpi eq, %select_n3A_221, %eq3A_222 : i32
          %convert_element_type3A_224 = arith.extui %eq3A_223 : i1 to i32
          %cond3A_225 = arith.constant 0 : i32
          %cond3A_226 = arith.cmpi ne, %convert_element_type3A_224, %cond3A_225 : i32
          scf.if %cond3A_226 {
            %dma_wait3A_227 = arith.constant 0 : i32
            %dma_wait3A_228 = arith.constant 0 : i32
            %dma_wait3A_229 = arith.constant 0 : i32
            %dma_wait3A_230 = tpu.memref_slice %arg2[%dma_wait3A_227, %dma_wait3A_228, %dma_wait3A_229] : memref<784x81x5000xf32, #tpu.memory_space<hbm>> -> memref<1x81x128xf32, #tpu.memory_space<hbm>>
            %dma_wait3A_231 = tpu.memref_squeeze %dma_wait3A_230 : memref<1x81x128xf32, #tpu.memory_space<hbm>> -> memref<81x128xf32, #tpu.memory_space<hbm>>
            %dma_wait3A_232 = arith.constant 0 : i32
            %dma_wait3A_233 = arith.constant 0 : i32
            %dma_wait3A_234 = tpu.memref_slice %arg2[%dma_wait3A_227, %dma_wait3A_232, %dma_wait3A_233] : memref<784x81x5000xf32, #tpu.memory_space<hbm>> -> memref<1x81x128xf32, #tpu.memory_space<hbm>>
            %dma_wait3A_235 = tpu.memref_squeeze %dma_wait3A_234 : memref<1x81x128xf32, #tpu.memory_space<hbm>> -> memref<81x128xf32, #tpu.memory_space<hbm>>
            tpu.wait_dma2 semaphore(%arg13 : memref<!tpu.dma_semaphore, #tpu.memory_space<semaphore_mem>>) src(%dma_wait3A_235 : memref<81x128xf32, #tpu.memory_space<hbm>>) dst(%arg11 : memref<81x128xf32, #tpu.memory_space<vmem>>)
            %add3A_236 = arith.constant 6 : i32
            %add3A_237 = arith.addi %scan3A_100, %add3A_236 : i32
            %sub3A_238 = arith.constant 1 : i32
            %sub3A_239 = arith.subi %add3A_237, %sub3A_238 : i32
            %lt3A_240 = arith.constant 112 : i32
            %lt3A_241 = arith.cmpi slt, %sub3A_239, %lt3A_240 : i32
            %convert_element_type3A_242 = arith.extui %lt3A_241 : i1 to i32
            %cond3A_243 = arith.constant 0 : i32
            %cond3A_244 = arith.cmpi ne, %convert_element_type3A_242, %cond3A_243 : i32
            scf.if %cond3A_244 {
              %add3A_392 = arith.constant 6 : i32
              %add3A_393 = arith.addi %scan3A_100, %add3A_392 : i32
              %sub3A_394 = arith.constant 1 : i32
              %sub3A_395 = arith.subi %add3A_393, %sub3A_394 : i32
              %add3A_396 = arith.addi %multiple_of3A_47, %sub3A_395 : i32
              %dma_start3A_397 = arith.constant 0 : i32
              %dma_start3A_398 = tpu.memref_slice %arg2[%add3A_396, %dma_start3A_397, %multiple_of3A] : memref<784x81x5000xf32, #tpu.memory_space<hbm>> -> memref<1x81x128xf32, #tpu.memory_space<hbm>>
              %dma_start3A_399 = tpu.memref_squeeze %dma_start3A_398 : memref<1x81x128xf32, #tpu.memory_space<hbm>> -> memref<81x128xf32, #tpu.memory_space<hbm>>
              %dma_start3A_400 = arith.constant 0 : i32
              %dma_start3A_401 = tpu.memref_slice %arg2[%add3A_396, %dma_start3A_400, %multiple_of3A] : memref<784x81x5000xf32, #tpu.memory_space<hbm>> -> memref<1x81x128xf32, #tpu.memory_space<hbm>>
              %dma_start3A_402 = tpu.memref_squeeze %dma_start3A_401 : memref<1x81x128xf32, #tpu.memory_space<hbm>> -> memref<81x128xf32, #tpu.memory_space<hbm>>
              tpu.enqueue_dma source(%dma_start3A_402 : memref<81x128xf32, #tpu.memory_space<hbm>>) target(%arg10 : memref<81x128xf32, #tpu.memory_space<vmem>>) target_semaphore(%arg13 : memref<!tpu.dma_semaphore, #tpu.memory_space<semaphore_mem>>)
            } else {
            }
            %get3A = arith.constant 0 : index
            %get3A_245 = tpu.vector_load %arg5[%get3A] {strides = array<i32>} : memref<128xi32, #tpu.memory_space<vmem>>, vector<16xi32>,
            %add3A_246 = arith.constant 0 : i32
            %add3A_247 = vector.broadcast %add3A_246 : i32 to vector<16xi32>
            %add3A_248 = arith.addi %add3A_247, %iota3A : vector<16xi32>
            %gather3A = tpu.vector_load_idx %arg11[%get3A_245, %add3A_248] : memref<81x128xf32, #tpu.memory_space<vmem>>[vector<16xi32>, vector<16xi32>], vector<16xf32>,
            %neg3A = arith.constant 0.000000e+00 : f32
            %neg3A_249 = vector.broadcast %neg3A : f32 to vector<16xf32>
            %neg3A_250 = arith.subf %neg3A_249, %gather3A : vector<16xf32>
            %exp3A = math.exp %neg3A_250 : vector<16xf32>
            %add3A_251 = arith.constant 1.000000e+00 : f32
            %add3A_252 = vector.broadcast %add3A_251 : f32 to vector<16xf32>
            %add3A_253 = arith.addf %add3A_252, %exp3A : vector<16xf32>
            %div3A_254 = arith.constant 1.000000e+00 : f32
            %div3A_255 = vector.broadcast %div3A_254 : f32 to vector<16xf32>
            %div3A_256 = arith.divf %div3A_255, %add3A_253 : vector<16xf32>
            %swap3A = arith.index_cast %scan3A_100 : i32 to index
            %swap3A_257 = arith.constant 0 : index
            %swap3A_258 = tpu.vector_load %arg12[%swap3A, %swap3A_257] {strides = array<i32>} : memref<112x128xf32, #tpu.memory_space<vmem>>, vector<16xf32>,
            tpu.vector_store %arg12[%swap3A, %swap3A_257], %div3A_256 {strides = array<i32>} : memref<112x128xf32, #tpu.memory_space<vmem>>, vector<16xf32>,
            %get3A_259 = arith.constant 16 : index
            %get3A_260 = tpu.vector_load %arg5[%get3A_259] {strides = array<i32>} : memref<128xi32, #tpu.memory_space<vmem>>, vector<16xi32>,
            %add3A_261 = arith.constant 16 : i32
            %add3A_262 = vector.broadcast %add3A_261 : i32 to vector<16xi32>
            %add3A_263 = arith.addi %add3A_262, %iota3A : vector<16xi32>
            %gather3A_264 = tpu.vector_load_idx %arg11[%get3A_260, %add3A_263] : memref<81x128xf32, #tpu.memory_space<vmem>>[vector<16xi32>, vector<16xi32>], vector<16xf32>,
            %neg3A_265 = arith.constant 0.000000e+00 : f32
            %neg3A_266 = vector.broadcast %neg3A_265 : f32 to vector<16xf32>
            %neg3A_267 = arith.subf %neg3A_266, %gather3A_264 : vector<16xf32>
            %exp3A_268 = math.exp %neg3A_267 : vector<16xf32>
            %add3A_269 = arith.constant 1.000000e+00 : f32
            %add3A_270 = vector.broadcast %add3A_269 : f32 to vector<16xf32>
            %add3A_271 = arith.addf %add3A_270, %exp3A_268 : vector<16xf32>
            %div3A_272 = arith.constant 1.000000e+00 : f32
            %div3A_273 = vector.broadcast %div3A_272 : f32 to vector<16xf32>
            %div3A_274 = arith.divf %div3A_273, %add3A_271 : vector<16xf32>
            %swap3A_275 = arith.index_cast %scan3A_100 : i32 to index
            %swap3A_276 = arith.constant 16 : index
            %swap3A_277 = tpu.vector_load %arg12[%swap3A_275, %swap3A_276] {strides = array<i32>} : memref<112x128xf32, #tpu.memory_space<vmem>>, vector<16xf32>,
            tpu.vector_store %arg12[%swap3A_275, %swap3A_276], %div3A_274 {strides = array<i32>} : memref<112x128xf32, #tpu.memory_space<vmem>>, vector<16xf32>,
            %get3A_278 = arith.constant 32 : index
            %get3A_279 = tpu.vector_load %arg5[%get3A_278] {strides = array<i32>} : memref<128xi32, #tpu.memory_space<vmem>>, vector<16xi32>,
            %add3A_280 = arith.constant 32 : i32
            %add3A_281 = vector.broadcast %add3A_280 : i32 to vector<16xi32>
            %add3A_282 = arith.addi %add3A_281, %iota3A : vector<16xi32>
            %gather3A_283 = tpu.vector_load_idx %arg11[%get3A_279, %add3A_282] : memref<81x128xf32, #tpu.memory_space<vmem>>[vector<16xi32>, vector<16xi32>], vector<16xf32>,
            %neg3A_284 = arith.constant 0.000000e+00 : f32
            %neg3A_285 = vector.broadcast %neg3A_284 : f32 to vector<16xf32>
            %neg3A_286 = arith.subf %neg3A_285, %gather3A_283 : vector<16xf32>
            %exp3A_287 = math.exp %neg3A_286 : vector<16xf32>
            %add3A_288 = arith.constant 1.000000e+00 : f32
            %add3A_289 = vector.broadcast %add3A_288 : f32 to vector<16xf32>
            %add3A_290 = arith.addf %add3A_289, %exp3A_287 : vector<16xf32>
            %div3A_291 = arith.constant 1.000000e+00 : f32
            %div3A_292 = vector.broadcast %div3A_291 : f32 to vector<16xf32>
            %div3A_293 = arith.divf %div3A_292, %add3A_290 : vector<16xf32>
            %swap3A_294 = arith.index_cast %scan3A_100 : i32 to index
            %swap3A_295 = arith.constant 32 : index
            %swap3A_296 = tpu.vector_load %arg12[%swap3A_294, %swap3A_295] {strides = array<i32>} : memref<112x128xf32, #tpu.memory_space<vmem>>, vector<16xf32>,
            tpu.vector_store %arg12[%swap3A_294, %swap3A_295], %div3A_293 {strides = array<i32>} : memref<112x128xf32, #tpu.memory_space<vmem>>, vector<16xf32>,
            %get3A_297 = arith.constant 48 : index
            %get3A_298 = tpu.vector_load %arg5[%get3A_297] {strides = array<i32>} : memref<128xi32, #tpu.memory_space<vmem>>, vector<16xi32>,
            %add3A_299 = arith.constant 48 : i32
            %add3A_300 = vector.broadcast %add3A_299 : i32 to vector<16xi32>
            %add3A_301 = arith.addi %add3A_300, %iota3A : vector<16xi32>
            %gather3A_302 = tpu.vector_load_idx %arg11[%get3A_298, %add3A_301] : memref<81x128xf32, #tpu.memory_space<vmem>>[vector<16xi32>, vector<16xi32>], vector<16xf32>,
            %neg3A_303 = arith.constant 0.000000e+00 : f32
            %neg3A_304 = vector.broadcast %neg3A_303 : f32 to vector<16xf32>
            %neg3A_305 = arith.subf %neg3A_304, %gather3A_302 : vector<16xf32>
            %exp3A_306 = math.exp %neg3A_305 : vector<16xf32>
            %add3A_307 = arith.constant 1.000000e+00 : f32
            %add3A_308 = vector.broadcast %add3A_307 : f32 to vector<16xf32>
            %add3A_309 = arith.addf %add3A_308, %exp3A_306 : vector<16xf32>
            %div3A_310 = arith.constant 1.000000e+00 : f32
            %div3A_311 = vector.broadcast %div3A_310 : f32 to vector<16xf32>
            %div3A_312 = arith.divf %div3A_311, %add3A_309 : vector<16xf32>
            %swap3A_313 = arith.index_cast %scan3A_100 : i32 to index
            %swap3A_314 = arith.constant 48 : index
            %swap3A_315 = tpu.vector_load %arg12[%swap3A_313, %swap3A_314] {strides = array<i32>} : memref<112x128xf32, #tpu.memory_space<vmem>>, vector<16xf32>,
            tpu.vector_store %arg12[%swap3A_313, %swap3A_314], %div3A_312 {strides = array<i32>} : memref<112x128xf32, #tpu.memory_space<vmem>>, vector<16xf32>,
            %get3A_316 = arith.constant 64 : index
            %get3A_317 = tpu.vector_load %arg5[%get3A_316] {strides = array<i32>} : memref<128xi32, #tpu.memory_space<vmem>>, vector<16xi32>,
            %add3A_318 = arith.constant 64 : i32
            %add3A_319 = vector.broadcast %add3A_318 : i32 to vector<16xi32>
            %add3A_320 = arith.addi %add3A_319, %iota3A : vector<16xi32>
            %gather3A_321 = tpu.vector_load_idx %arg11[%get3A_317, %add3A_320] : memref<81x128xf32, #tpu.memory_space<vmem>>[vector<16xi32>, vector<16xi32>], vector<16xf32>,
            %neg3A_322 = arith.constant 0.000000e+00 : f32
            %neg3A_323 = vector.broadcast %neg3A_322 : f32 to vector<16xf32>
            %neg3A_324 = arith.subf %neg3A_323, %gather3A_321 : vector<16xf32>
            %exp3A_325 = math.exp %neg3A_324 : vector<16xf32>
            %add3A_326 = arith.constant 1.000000e+00 : f32
            %add3A_327 = vector.broadcast %add3A_326 : f32 to vector<16xf32>
            %add3A_328 = arith.addf %add3A_327, %exp3A_325 : vector<16xf32>
            %div3A_329 = arith.constant 1.000000e+00 : f32
            %div3A_330 = vector.broadcast %div3A_329 : f32 to vector<16xf32>
            %div3A_331 = arith.divf %div3A_330, %add3A_328 : vector<16xf32>
            %swap3A_332 = arith.index_cast %scan3A_100 : i32 to index
            %swap3A_333 = arith.constant 64 : index
            %swap3A_334 = tpu.vector_load %arg12[%swap3A_332, %swap3A_333] {strides = array<i32>} : memref<112x128xf32, #tpu.memory_space<vmem>>, vector<16xf32>,
            tpu.vector_store %arg12[%swap3A_332, %swap3A_333], %div3A_331 {strides = array<i32>} : memref<112x128xf32, #tpu.memory_space<vmem>>, vector<16xf32>,
            %get3A_335 = arith.constant 80 : index
            %get3A_336 = tpu.vector_load %arg5[%get3A_335] {strides = array<i32>} : memref<128xi32, #tpu.memory_space<vmem>>, vector<16xi32>,
            %add3A_337 = arith.constant 80 : i32
            %add3A_338 = vector.broadcast %add3A_337 : i32 to vector<16xi32>
            %add3A_339 = arith.addi %add3A_338, %iota3A : vector<16xi32>
            %gather3A_340 = tpu.vector_load_idx %arg11[%get3A_336, %add3A_339] : memref<81x128xf32, #tpu.memory_space<vmem>>[vector<16xi32>, vector<16xi32>], vector<16xf32>,
            %neg3A_341 = arith.constant 0.000000e+00 : f32
            %neg3A_342 = vector.broadcast %neg3A_341 : f32 to vector<16xf32>
            %neg3A_343 = arith.subf %neg3A_342, %gather3A_340 : vector<16xf32>
            %exp3A_344 = math.exp %neg3A_343 : vector<16xf32>
            %add3A_345 = arith.constant 1.000000e+00 : f32
            %add3A_346 = vector.broadcast %add3A_345 : f32 to vector<16xf32>
            %add3A_347 = arith.addf %add3A_346, %exp3A_344 : vector<16xf32>
            %div3A_348 = arith.constant 1.000000e+00 : f32
            %div3A_349 = vector.broadcast %div3A_348 : f32 to vector<16xf32>
            %div3A_350 = arith.divf %div3A_349, %add3A_347 : vector<16xf32>
            %swap3A_351 = arith.index_cast %scan3A_100 : i32 to index
            %swap3A_352 = arith.constant 80 : index
            %swap3A_353 = tpu.vector_load %arg12[%swap3A_351, %swap3A_352] {strides = array<i32>} : memref<112x128xf32, #tpu.memory_space<vmem>>, vector<16xf32>,
            tpu.vector_store %arg12[%swap3A_351, %swap3A_352], %div3A_350 {strides = array<i32>} : memref<112x128xf32, #tpu.memory_space<vmem>>, vector<16xf32>,
            %get3A_354 = arith.constant 96 : index
            %get3A_355 = tpu.vector_load %arg5[%get3A_354] {strides = array<i32>} : memref<128xi32, #tpu.memory_space<vmem>>, vector<16xi32>,
            %add3A_356 = arith.constant 96 : i32
            %add3A_357 = vector.broadcast %add3A_356 : i32 to vector<16xi32>
            %add3A_358 = arith.addi %add3A_357, %iota3A : vector<16xi32>
            %gather3A_359 = tpu.vector_load_idx %arg11[%get3A_355, %add3A_358] : memref<81x128xf32, #tpu.memory_space<vmem>>[vector<16xi32>, vector<16xi32>], vector<16xf32>,
            %neg3A_360 = arith.constant 0.000000e+00 : f32
            %neg3A_361 = vector.broadcast %neg3A_360 : f32 to vector<16xf32>
            %neg3A_362 = arith.subf %neg3A_361, %gather3A_359 : vector<16xf32>
            %exp3A_363 = math.exp %neg3A_362 : vector<16xf32>
            %add3A_364 = arith.constant 1.000000e+00 : f32
            %add3A_365 = vector.broadcast %add3A_364 : f32 to vector<16xf32>
            %add3A_366 = arith.addf %add3A_365, %exp3A_363 : vector<16xf32>
            %div3A_367 = arith.constant 1.000000e+00 : f32
            %div3A_368 = vector.broadcast %div3A_367 : f32 to vector<16xf32>
            %div3A_369 = arith.divf %div3A_368, %add3A_366 : vector<16xf32>
            %swap3A_370 = arith.index_cast %scan3A_100 : i32 to index
            %swap3A_371 = arith.constant 96 : index
            %swap3A_372 = tpu.vector_load %arg12[%swap3A_370, %swap3A_371] {strides = array<i32>} : memref<112x128xf32, #tpu.memory_space<vmem>>, vector<16xf32>,
            tpu.vector_store %arg12[%swap3A_370, %swap3A_371], %div3A_369 {strides = array<i32>} : memref<112x128xf32, #tpu.memory_space<vmem>>, vector<16xf32>,
            %get3A_373 = arith.constant 112 : index
            %get3A_374 = tpu.vector_load %arg5[%get3A_373] {strides = array<i32>} : memref<128xi32, #tpu.memory_space<vmem>>, vector<16xi32>,
            %add3A_375 = arith.constant 112 : i32
            %add3A_376 = vector.broadcast %add3A_375 : i32 to vector<16xi32>
            %add3A_377 = arith.addi %add3A_376, %iota3A : vector<16xi32>
            %gather3A_378 = tpu.vector_load_idx %arg11[%get3A_374, %add3A_377] : memref<81x128xf32, #tpu.memory_space<vmem>>[vector<16xi32>, vector<16xi32>], vector<16xf32>,
            %neg3A_379 = arith.constant 0.000000e+00 : f32
            %neg3A_380 = vector.broadcast %neg3A_379 : f32 to vector<16xf32>
            %neg3A_381 = arith.subf %neg3A_380, %gather3A_378 : vector<16xf32>
            %exp3A_382 = math.exp %neg3A_381 : vector<16xf32>
            %add3A_383 = arith.constant 1.000000e+00 : f32
            %add3A_384 = vector.broadcast %add3A_383 : f32 to vector<16xf32>
            %add3A_385 = arith.addf %add3A_384, %exp3A_382 : vector<16xf32>
            %div3A_386 = arith.constant 1.000000e+00 : f32
            %div3A_387 = vector.broadcast %div3A_386 : f32 to vector<16xf32>
            %div3A_388 = arith.divf %div3A_387, %add3A_385 : vector<16xf32>
            %swap3A_389 = arith.index_cast %scan3A_100 : i32 to index
            %swap3A_390 = arith.constant 112 : index
            %swap3A_391 = tpu.vector_load %arg12[%swap3A_389, %swap3A_390] {strides = array<i32>} : memref<112x128xf32, #tpu.memory_space<vmem>>, vector<16xf32>,
            tpu.vector_store %arg12[%swap3A_389, %swap3A_390], %div3A_388 {strides = array<i32>} : memref<112x128xf32, #tpu.memory_space<vmem>>, vector<16xf32>,
          } else {
          }
        }
        %scan3A_92 = arith.constant 112 : i32
        %dma_start3A_93 = tpu.memref_slice %arg4[%multiple_of3A_47, %multiple_of3A] : memref<784x2048xf32, #tpu.memory_space<hbm>> -> memref<112x128xf32, #tpu.memory_space<hbm>>
        %dma_start3A_94 = tpu.memref_slice %arg4[%multiple_of3A_47, %multiple_of3A] : memref<784x2048xf32, #tpu.memory_space<hbm>> -> memref<112x128xf32, #tpu.memory_space<hbm>>
        tpu.enqueue_dma source(%arg12 : memref<112x128xf32, #tpu.memory_space<vmem>>) target(%dma_start3A_94 : memref<112x128xf32, #tpu.memory_space<hbm>>) target_semaphore(%arg14 : memref<!tpu.dma_semaphore, #tpu.memory_space<semaphore_mem>>)
        %dma_wait3A = arith.constant 0 : i32
        %dma_wait3A_95 = arith.constant 0 : i32
        %dma_wait3A_96 = tpu.memref_slice %arg4[%dma_wait3A, %dma_wait3A_95] : memref<784x2048xf32, #tpu.memory_space<hbm>> -> memref<112x128xf32, #tpu.memory_space<hbm>>
        %dma_wait3A_97 = arith.constant 0 : i32
        %dma_wait3A_98 = arith.constant 0 : i32
        %dma_wait3A_99 = tpu.memref_slice %arg4[%dma_wait3A_97, %dma_wait3A_98] : memref<784x2048xf32, #tpu.memory_space<hbm>> -> memref<112x128xf32, #tpu.memory_space<hbm>>
        tpu.wait_dma2 semaphore(%arg14 : memref<!tpu.dma_semaphore, #tpu.memory_space<semaphore_mem>>) src(%arg12 : memref<112x128xf32, #tpu.memory_space<vmem>>) dst(%dma_wait3A_99 : memref<112x128xf32, #tpu.memory_space<hbm>>)
      } else {
      }
    }
    %scan3A_5 = arith.constant 4 : i32
    return
  }
}

module attributes {stable_mosaic.version = 14 : i64} {
  func.func @_tc_body(%arg0: i32, %arg1: i32, %arg2: memref<1x512xi32, #tpu.memory_space<vmem>>, %arg3: memref<1x28x81x512xf32, #tpu.memory_space<vmem>>, %arg4: memref<1x28x512xf32, #tpu.memory_space<vmem>>) attributes {dimension_semantics = [#tpu.dimension_semantics<arbitrary>, #tpu.dimension_semantics<arbitrary>], iteration_bounds = array<i64: 28, 6>, scalar_prefetch = 0 : i64, scratch_operands = 0 : i64, tpu.core_type = #tpu.core_type<tc>, window_params = [{transform_indices = @transform_0, window_bounds = array<i64: 1, 512>}, {transform_indices = @transform_1, window_bounds = array<i64: 1, 28, 81, 512>}, {transform_indices = @transform_2, window_bounds = array<i64: 1, 28, 512>}]} {
    %get3A = arith.constant 0 : index
    %get3A_0 = arith.constant 0 : index
    %get3A_1 = vector.load %arg2[%get3A, %get3A_0] : memref<1x512xi32, #tpu.memory_space<vmem>>, vector<1x512xi32>
    %get3A_2 = vector.shape_cast %get3A_1 : vector<1x512xi32> to vector<512xi32>
    %iota3A = tpu.iota {dimensions = array<i32: 0>} : vector<81x512xi32>
    %broadcast_in_dim3A = vector.shape_cast %get3A_2 : vector<512xi32> to vector<1x512xi32>
    %eq3A = vector.broadcast %broadcast_in_dim3A : vector<1x512xi32> to vector<81x512xi32>
    %eq3A_3 = arith.cmpi eq, %eq3A, %iota3A : vector<81x512xi32>
    %convert_element_type3A = arith.extui %eq3A_3 : vector<81x512xi1> to vector<81x512xi32>
    %convert_element_type3A_4 = arith.sitofp %convert_element_type3A : vector<81x512xi32> to vector<81x512xf32>
    %get3A_5 = arith.constant 0 : index
    %get3A_6 = arith.constant 0 : index
    %get3A_7 = arith.constant 0 : index
    %get3A_8 = arith.constant 0 : index
    %get3A_9 = vector.load %arg3[%get3A_5, %get3A_6, %get3A_7, %get3A_8] : memref<1x28x81x512xf32, #tpu.memory_space<vmem>>, vector<1x28x81x512xf32>
    %get3A_10 = vector.shape_cast %get3A_9 : vector<1x28x81x512xf32> to vector<28x81x512xf32>
    %broadcast_in_dim3A_11 = vector.shape_cast %convert_element_type3A_4 : vector<81x512xf32> to vector<1x81x512xf32>
    %mul3A = vector.broadcast %broadcast_in_dim3A_11 : vector<1x81x512xf32> to vector<28x81x512xf32>
    %mul3A_12 = arith.mulf %get3A_10, %mul3A : vector<28x81x512xf32>
    %reduce_sum3A = arith.constant dense<0.000000e+00> : vector<28x512xf32>
    %reduce_sum3A_13 = vector.multi_reduction <add>, %mul3A_12, %reduce_sum3A [1] : vector<28x81x512xf32> to vector<28x512xf32>
    %neg3A = arith.constant 0.000000e+00 : f32
    %neg3A_14 = vector.broadcast %neg3A : f32 to vector<28x512xf32>
    %neg3A_15 = arith.subf %neg3A_14, %reduce_sum3A_13 : vector<28x512xf32>
    %exp3A = math.exp %neg3A_15 : vector<28x512xf32>
    %add3A = arith.constant 1.000000e+00 : f32
    %add3A_16 = vector.broadcast %add3A : f32 to vector<28x512xf32>
    %add3A_17 = arith.addf %add3A_16, %exp3A : vector<28x512xf32>
    %div3A = arith.constant 1.000000e+00 : f32
    %div3A_18 = vector.broadcast %div3A : f32 to vector<28x512xf32>
    %div3A_19 = arith.divf %div3A_18, %add3A_17 : vector<28x512xf32>
    %swap3A = arith.constant 0 : index
    %swap3A_20 = arith.constant 0 : index
    %swap3A_21 = arith.constant 0 : index
    %swap3A_22 = vector.load %arg4[%swap3A, %swap3A_20, %swap3A_21] : memref<1x28x512xf32, #tpu.memory_space<vmem>>, vector<1x28x512xf32>
    %swap3A_23 = vector.shape_cast %swap3A_22 : vector<1x28x512xf32> to vector<28x512xf32>
    %swap3A_24 = vector.shape_cast %div3A_19 : vector<28x512xf32> to vector<1x28x512xf32>
    tpu.vector_store %arg4[%swap3A, %swap3A_20, %swap3A_21], %swap3A_24 {strides = array<i32>} : memref<1x28x512xf32, #tpu.memory_space<vmem>>, vector<1x28x512xf32>,
    return
  }
  func.func @transform_0(%arg0: i32, %arg1: i32) -> (i32, i32) {
    %add3A = arith.constant 4 : i32
    %add3A_0 = arith.addi %add3A, %arg1 : i32
    %c0_i32 = arith.constant 0 : i32
    %c0_i32_1 = arith.constant 0 : i32
    return %c0_i32, %add3A_0 : i32, i32
  }
  func.func @transform_1(%arg0: i32, %arg1: i32) -> (i32, i32, i32, i32) {
    %add3A = arith.constant 4 : i32
    %add3A_0 = arith.addi %add3A, %arg1 : i32
    %c0_i32 = arith.constant 0 : i32
    %c0_i32_1 = arith.constant 0 : i32
    %c0_i32_2 = arith.constant 0 : i32
    return %arg0, %c0_i32, %c0_i32_1, %add3A_0 : i32, i32, i32, i32
  }
  func.func @transform_2(%arg0: i32, %arg1: i32) -> (i32, i32, i32) {
    %c0_i32 = arith.constant 0 : i32
    %c0_i32_0 = arith.constant 0 : i32
    return %arg0, %c0_i32, %arg1 : i32, i32, i32
  }
}

</mosaic_0001>

<sc_bundles>
// kernel: kernel.4.cloned.1.call-start
scs
__scs_entry_jumppad:
0x0: {  	(pc) =	sbr.rel $0x88, $3  }
0x1: {  	(tag) =	ssettag $0x0;
	lr =	simm.s32 $0x1  }
0x2: {  	[smem:$0x3F9F] =	sst lr;
	_ =	strace $0xD0000000  }
0x3: {  	_ = 	snop  }
0x4: {  	_ = 	snop  }
0x5: {  	_ = 	snop  }
0x6: {  	_ = 	snop  }
0x7: {  	_ = 	snop  }
__scs_overlays_trampoline_lowered:
0x8: {  	[smem:$0x3FAE] =	sst s0  }
0x9: {  	[smem:$0x3FAF] =	sst s1  }
0xa: {  	[smem:$0x3FB0] =	sst s2  }
0xb: {  	[smem:$0x3FB1] =	sst s3  }
0xc: {  	[smem:$0x3FB2] =	sst s4  }
0xd: {  	[smem:$0x3FB3] =	sst s5  }
0xe: {  	[smem:$0x3FB4] =	sst s6  }
0xf: {  	[smem:$0x3FB5] =	sst s7  }
0x10: {  	[smem:$0x3FB6] =	sst s8  }
0x11: {  	[smem:$0x3FB7] =	sst s9;
	s0 =	simm.s32 @!p0 $0x0  }
0x12: {  	s1 =	sld [smem:$0x3F9D];
	s0 =	simm.s32 @p0 $0x1  }
0x13: {  	[smem:$0x3FB8] =	sst s0;
	s0 =	simm.s32 @!p1 $0x0  }
0x14: {  	s2 =	sld [smem:$0x3F9C];
	s0 =	simm.s32 @p1 $0x1  }
0x15: {  	[smem:$0x3FB9] =	sst s0;
	s0 =	simm.s32 @!p2 $0x0  }
0x16: {  	s3 =	sld [smem:$0x3FDB];
	s0 =	simm.s32 @p2 $0x1  }
0x17: {  	s4 =	simm.s32 $0x1BF5;
	[smem:$0x3FBB] =	sst s0  }
0x18: {  	s0 =	sld [smem:$0x3F9E];
	_ =	swait.ge [sflag:s4], $0x0  }
0x19: {  	s7 =	sld [smem:$0x3F9F]  }
0x1a: {  	s8 =	sadd.s32 $0xFFFFE003, lr  }
0x1b: {  	s9 =	sadd.s32 $0xFFFFFEF7, lr;
	s5 =	simm.s32 $0xFFFFFFFF;
	p2 =	slt.u32 s8, $0xFFFFF086  }
0x1c: {  	p1 =	slt.u32 s9, $0xF7A;
	s5 =	simm.s32 @!p2 $0x0  }
0x1d: {  	s5 =	simm.s32 @p1 $0x1;
	p0 =	seq.s32 s7, s2  }
0x1e: {  	s7 =	smul.u32 @!p0 $0xF7A, s2;
	p2 =	seq.s32 @!p0 s5, $0x0  }
0x1f: {  	s9 =	smul.u32 $0xF7A, s1;
	s8 =	simm.s32 @!p0 $0x1BF5;
	p2 =	por !p2, p0  }
0x20: {  	[sflag:s8] =	ssyncset.s32 @!p0 $0xFFFFF086;
	s6 =	sadd.s32 @!p0 s3, s7;
	s7 =	simm.s32 @!p0 $0x108  }
0x21: {  	s3 =	sadd.s32 s3, s9;
	s6 =	sadd.s32 @!p0 $0x88, s6;
	s7 =	simm.s32 @p2 $0x1082  }
0x22: {  	[simem:s7], [sflag:s8] =	dma.local @!p0 [hbm:s6], $0xF7A  }
0x23: {  	s9 =	sor.u32 $0xD0000000, s2;
	s6 =	simm.s32 $0x108;
	_ =	swait.ge @!p0 [sflag:s8], $0x0  }
0x24: {  	s3 =	sadd.s32 $0x88, s3;
	s6 =	simm.s32 @!p1 $0x1082;
	[sflag:s4] =	ssyncset.s32 $0xFFFFF086  }
0x25: {  	[simem:s6], [sflag:s4] =	dma.local [hbm:s3], $0xF7A  }
0x26: {  	[smem:$0x3F9F] =	sst s1;
	(tag) =	ssettag s2;
	_ =	strace s9  }
0x27: {  	s1 =	sld [smem:$0x3FAF]  }
0x28: {  	s2 =	sld [smem:$0x3FB0]  }
0x29: {  	s4 =	sld [smem:$0x3FB2]  }
0x2a: {  	p0 =	seq.s32 s5, $0x0;
	s5 =	sld [smem:$0x3FB3]  }
0x2b: {  	s6 =	sld [smem:$0x3FB4]  }
0x2c: {  	s7 =	sld [smem:$0x3FB5]  }
0x2d: {  	s3 =	simm.s32 $0x108;
	s8 =	sld [smem:$0x3FB6]  }
0x2e: {  	s3 =	simm.s32 @!p0 $0x1082;
	s9 =	sld [smem:$0x3FB7]  }
0x2f: {  	lr =	sadd.s32 s0, s3;
	s0 =	sld [smem:$0x3FAE]  }
0x30: {  	s3 =	sld [smem:$0x3FB1]  }
0x31: {  	[smem:$0x3FBA] =	sst s10  }
0x32: {  	s10 =	sld [smem:$0x3FB8];
	_ =	sdelay $0x3  }
0x33: {  	p0 =	seq.s32 s10, $0x1;
	s10 =	sld [smem:$0x3FBA];
	_ =	sdelay $0x3  }
0x34: {  	[smem:$0x3FBA] =	sst s10  }
0x35: {  	s10 =	sld [smem:$0x3FB9];
	_ =	sdelay $0x3  }
0x36: {  	p1 =	seq.s32 s10, $0x1;
	s10 =	sld [smem:$0x3FBA];
	_ =	sdelay $0x3  }
0x37: {  	[smem:$0x3FBA] =	sst s10  }
0x38: {  	s10 =	sld [smem:$0x3FBB]  }
0x39: {  	_ = 	snop;
	(pc) =	sbr.ind lr, $3  }
0x3a: {  	_ = 	snop  }
0x3b: {  	_ = 	snop  }
0x3c: {  	p2 =	seq.s32 s10, $0x1;
	s10 =	sld [smem:$0x3FBA]  }
0x3d: {  	_ =	shalt  }
0x3e: {  	_ =	shalt  }
0x3f: {  	_ =	shalt  }
0x40: {  	_ =	shalt  }
0x41: {  	_ =	shalt  }
0x42: {  	_ =	shalt  }
0x43: {  	_ =	shalt  }
0x44: {  	_ =	shalt  }
0x45: {  	_ =	shalt  }
0x46: {  	_ =	shalt  }
0x47: {  	_ =	shalt  }
0x48: {  	_ =	shalt  }
0x49: {  	_ =	shalt  }
0x4a: {  	_ =	shalt  }
0x4b: {  	_ =	shalt  }
0x4c: {  	_ =	shalt  }
0x4d: {  	_ =	shalt  }
0x4e: {  	_ =	shalt  }
0x4f: {  	_ =	shalt  }
0x50: {  	_ =	shalt  }
0x51: {  	_ =	shalt  }
0x52: {  	_ =	shalt  }
0x53: {  	_ =	shalt  }
0x54: {  	_ =	shalt  }
0x55: {  	_ =	shalt  }
0x56: {  	_ =	shalt  }
0x57: {  	_ =	shalt  }
0x58: {  	_ =	shalt  }
0x59: {  	_ =	shalt  }
0x5a: {  	_ =	shalt  }
0x5b: {  	_ =	shalt  }
0x5c: {  	_ =	shalt  }
0x5d: {  	_ =	shalt  }
0x5e: {  	_ =	shalt  }
0x5f: {  	_ =	shalt  }
0x60: {  	_ =	shalt  }
0x61: {  	_ =	shalt  }
0x62: {  	_ =	shalt  }
0x63: {  	_ =	shalt  }
0x64: {  	_ =	shalt  }
0x65: {  	_ =	shalt  }
0x66: {  	_ =	shalt  }
0x67: {  	_ =	shalt  }
0x68: {  	_ =	shalt  }
0x69: {  	_ =	shalt  }
0x6a: {  	_ =	shalt  }
0x6b: {  	_ =	shalt  }
0x6c: {  	_ =	shalt  }
0x6d: {  	_ =	shalt  }
0x6e: {  	_ =	shalt  }
0x6f: {  	_ =	shalt  }
0x70: {  	_ =	shalt  }
0x71: {  	_ =	shalt  }
0x72: {  	_ =	shalt  }
0x73: {  	_ =	shalt  }
0x74: {  	_ =	shalt  }
0x75: {  	_ =	shalt  }
0x76: {  	_ =	shalt  }
0x77: {  	_ =	shalt  }
0x78: {  	_ =	shalt  }
0x79: {  	_ =	shalt  }
0x7a: {  	_ =	shalt  }
0x7b: {  	_ =	shalt  }
0x7c: {  	_ =	shalt  }
0x7d: {  	_ =	shalt  }
0x7e: {  	_ =	shalt  }
0x7f: {  	_ =	shalt  }
0x80: {  	_ =	shalt  }
0x81: {  	_ =	shalt  }
0x82: {  	_ =	shalt  }
0x83: {  	_ =	shalt  }
0x84: {  	_ =	shalt  }
0x85: {  	_ =	shalt  }
0x86: {  	_ =	shalt  }
0x87: {  	_ =	shalt  }
.Lfunc_end0:
.L_simem_size_0:
called_computation_lowered:
.L_overlay_start_0:
0x88: {  	s2 =	sld [smem:$0x3FD9]  }
0x89: {  	s3 =	sld [smem:$0x3FFE];
	_ =	sdelay $0x1  }
0x8a: {  	s1 =	srdreg.scid  }
0x8b: {  	s0 =	sand.u32 $0x1, s1  }
0x8c: {  	s17 =	sshll.u32 s0, $0xA;
	s2 =	sadd.s32 s3, s2  }
0x8d: {  	s2 =	sadd.s32 s2, s17  }
0x8e: {  	[smem:$0x3FC6] =	sst s2  }
0x8f: {  	_ = 	snop  }
0x90: {  	s2 =	sld [smem:$0x3FC9]  }
0x91: {  	s18 =	sld [smem:$0x3FC8];
	(tm) =	ssettm $0x1  }
0x92: {  	s4 =	sld [smem:$0x3FFB];
	_ =	sdelay $0x3  }
0x93: {  	_ =	strace s4  }
0x94: {  	s4 =	sld [smem:$0x3FFC];
	_ =	sdelay $0x3  }
0x95: {  	_ =	strace s4  }
0x96: {  	s4 =	sld [smem:$0x3FFD];
	_ =	sdelay $0x3  }
0x97: {  	_ =	strace s4  }
0x98: {  	_ =	strace $0x8FFFFFFF  }
0x99: {  	s19 =	sld [smem:$0x3FDB];
	_ =	sdelay $0x1  }
0x9a: {  	s5 =	simm.s32 $_scs_section_size  }
0x9b: {  	s6 =	simm.s32 $_size__tile_overlayer_lowered;
	s7 =	simm.s32 $_tile_overlayer_lowered  }
0x9c: {  	s22 =	simm.s32 $0x1BFF;
	s21 =	sshll.u32 s7, $0x1;
	s4 =	sadd.s32 s5, s19  }
0x9d: {  	s8 =	simm.s32 $0x0;
	s20 =	sshll.u32 s6, $0x1;
	s6 =	sadd.s32 s21, s4  }
0x9e: {  	[timem:s8], [sflag:s22] =	dma.local [hbm:s6], s20  }
0x9f: {  	_ =	swait.ge [sflag:s22], s20  }
0xa0: {  	s5 =	ssub.s32 $0x0, s20;
	[sflag:s22] =	ssyncset.done $0x0  }
0xa1: {  	[sflag:s22] =	ssyncadd.s32 s5;
	_ =	sdelay $0x1  }
0xa2: {  	s23 =	simm.s32 $0x1B8B  }
0xa3: {  	_ =	swait.ge [sflag:s23], $0x1  }
0xa4: {  	[sflag:s23] =	ssyncset.done $0x0  }
0xa5: {  	s25 =	simm.s32 $0x1B8E;
	s24 =	sld [smem:$0x3FFE];
	[sflag:s23] =	ssyncadd.s32 $0xFFFFFFFF  }
0xa6: {  	s26 =	simm.s32 $execute0_lowered;
	[smem:$0x3FD2] =	sst s25  }
0xa7: {  	s6 =	sshll.u32 s26, $0x1;
	_ =	strace $0x80000046;
	[dreg:$0x1] =	wrdreg $0xFFFFFFFF  }
0xa8: {  	s28 =	simm.s32 $_size_execute0_lowered;
	s4 =	sadd.s32 s4, s6;
	[dreg:$0x0] =	wrdreg $0x0  }
0xa9: {  	s6 =	sshll.u32 s28, $0x1;
	[dreg:$0x2] =	wrdreg s4  }
0xaa: {  	[dreg:$0x3] =	wrdreg s6  }
0xab: {  	[dreg:$0x4] =	wrdreg $0xC0  }
0xac: {  	_ =	task [dreg:s8], $0x5FFFF  }
0xad: {  	[dreg:$0x1] =	wrdreg $0xFFFFFFFF  }
0xae: {  	[dreg:$0x0] =	wrdreg $0x60  }
0xaf: {  	[dreg:$0x2] =	wrdreg s2  }
0xb0: {  	[dreg:$0x3] =	wrdreg s18  }
0xb1: {  	[dreg:$0x4] =	wrdreg s24  }
0xb2: {  	[dreg:$0x5] =	wrdreg $0x9  }
0xb3: {  	_ =	task.clear_ibuf [dreg:s8], $0x6FFFF;
	_ =	strace $0x90000046  }
0xb4: {  	s29 =	simm.s32 $0x9;
	_ =	strace $0x80000048  }
0xb5: {  	_ =	swait.ge [sflag:s29], $0x1  }
0xb6: {  	[sflag:s29] =	ssyncadd.s32 $0xFFFFFFFF  }
0xb7: {  	_ =	strace $0x90000048  }
0xb8: {  	_ =	sfence  }
0xb9: {  	s30 =	sld [smem:$0x0];
	_ =	sdelay $0x2  }
0xba: {  	s31 =	sshll.u32 s1, $0xD;
	s1 =	sshrl.u32 s1, $0x2  }
0xbb: {  	s3 =	sand.u32 $0x4000, s31;
	s1 =	sadd.s32 s1, s30  }
0xbc: {  	s0 =	sor.u32 s3, s0;
	s1 =	sshll.u32 s1, $0x11  }
0xbd: {  	s0 =	sor.u32 s1, s0  }
0xbe: {  	s0 =	sadd.s32 $0x8F2B, s0  }
0xbf: {  	[sflag:s0] =	ssyncadd.remote.s32 $0x1  }
0xc0: {  	_ =	sfence.sel $0xFFFF  }
0xc1: {  	[dreg:$0x0] =	wrdreg $0xFFFFFFFF;
	(pc) =	sbr.abs _section_cstart, $3  }
0xc2: {  	[dreg:$0x1] =	wrdreg $0xFFFFFFFF  }
0xc3: {  	_ =	task.clear_ibuf [dreg:s8], $0x2FFFF;
	_ =	strace $0x9FFFFFFF  }
0xc4: {  	(tm) =	ssettm $0x7FFFFFFF  }
0xc5: {  	_ =	shalt  }
tec
execute0_lowered:
.L_overlay_start_1:
0x0: {  	(tag) =	ssettag $0x1  }
0x1: {  	s1 =	rddreg [dreg:$0x0]  }
0x2: {  	s0 =	rddreg [dreg:$0x1]  }
0x3: {  	s3 =	rddreg [dreg:$0x2];
	s2 =	simm.s32 $0x0;
	s4 =	srdreg.scid  }
0x4: {  	s9 =	stileid.u32;
	s14 =	simm.s32 $0x3;
	s15 =	simm.s32 $0x400  }
0x5: {  	s16 =	simm.s32 $0xA000;
	s22 =	simm.s32 $0x8080;
	s28 =	simm.s32 $0x1  }
0x6: {  	s29 =	simm.s32 $0x4000;
	s30 =	simm.s32 $0x10880;
	s31 =	simm.s32 $0x2  }
0x7: {  	[smem:$0x7FF] =	sst s2;
	s6 =	sand.u32 $0x1, s4;
	s4 =	sadd.s32 $0x600, s3  }
0x8: {  	s8 =	sshrl.u32 s9, $0x3;
	s5 =	sshll.u32 s9, $0x1;
	s9 =	sand.u32 $0x7, s9  }
0x9: {  	_ =	strace $0x80000047;
	s7 =	ssub.s32 $0x2, s6;
	s8 =	smul.u32 $0x3020000, s8  }
0xa: {  	s24 =	sand.u32 $0xE, s5;
	s9 =	sshll.u32 s9, $0xB;
	s23 =	sshrl.u32 s7, $0x1  }
0xb: {  	s25 =	sshll.u32 s6, $0xA;
	s3 =	ssub.s32 s7, s23;
	s7 =	sor.u32 s6, s24  }
0xc: {  	s8 =	sor.u32 s9, s8;
	s23 =	simm.s32 $0x8480;
	s24 =	simm.s32 $0xAC80  }
0xd: {  	s10 =	sshll.u32 s7, $0x4;
	s6 =	sshll.u32 s7, $0xA;
	s9 =	sor.u32 s25, s8  }
.Ltmp0:
0xe: {  	s3 =	smax.u32 s3, $0x1;
	s25 =	simm.s32 $0xB080;
	(pc) =	sbr.rel .LBB2_1-.Ltmp0, $4  }
0xf: {  	v0 =	vlaneseq.u32;
	s7 =	sadd.s32 s0, s10;
	s8 =	sadd.s32 $0x6E000, s6;
	s26 =	sadd.s32 $0x226000, s9  }
0x10: {  	v1 =	vor.u32 $0x10, v0;
	s9 =	sor.u32 $0xDC000, s6;
	s10 =	sadd.s32 $0x14A000, s6;
	s0 =	sshrl.u32 s26, $0x3  }
0x11: {  	v2 =	vor.u32 $0x20, v0;
	v3 =	vor.u32 $0x30, v0;
	v4 =	vor.u32 $0x40, v0;
	s11 =	sor.u32 $0x1B8000, s6;
	[dreg:$0x4] =	wrdreg s3;
	s0 =	sadd.s32 s0, s1  }
0x12: {  	v5 =	vor.u32 $0x50, v0;
	v6 =	vor.u32 $0x60, v0;
	v7 =	vor.u32 $0x70, v0;
	s3 =	simm.s32 $0x0;
	s26 =	simm.s32 $0xD880;
	[dreg:$0x5] =	wrdreg s0  }
.LBB2_25:
0x13: {  	s3 =	rddreg [dreg:$0x6]  }
0x14: {  	s0 =	rddreg [dreg:$0x4];
	s3 =	sadd.s32 $0x1, s3  }
0x15: {  	p0 =	sne.s32 s3, s0  }
.Ltmp1:
0x16: {  	_ = 	snop;
	(pc) =	sbr.rel @!p0 .LBB2_26-.Ltmp1, $1  }
0x17: {  	_ =	sdelay $0x3  }
.LBB2_1:
.Ltmp2:
0x18: {  	(pc) =	sbr.rel .LBB2_2-.Ltmp2, $3  }
0x19: {  	_ =	sdelay $0x1  }
0x1a: {  	[dreg:$0x6] =	wrdreg s3  }
0x1b: {  	s18 =	rddreg [dreg:$0x5];
	s12 =	simm.s32 $0x0  }
.LBB2_23:
0x1c: {  	s0 =	smul.u32 $0x38000, s3;
	_ =	sdelay $0x1  }
0x1d: {  	s0 =	sor.u32 s6, s0  }
0x1e: {  	s0 =	sshrl.u32 s0, $0x3  }
0x1f: {  	s0 =	sadd.s32 s4, s0  }
0x20: {  	[hbm4b:s0+s15] =	stream.strided.scatter [tilespmem:s30], [sflag:$0x2], $0x3800, s29, s15, $0x38;
	[tilespmem:$0x14080] =	vst v63  }
0x21: {  	_ =	swait.ge [sflag:s31], $0x3800  }
0x22: {  	[sflag:s31] =	ssyncset.done $0x0  }
0x23: {  	[sflag:s31] =	ssyncadd.s32 $0xFFFFC800  }
.LBB2_24:
0x24: {  	s12 =	sadd.s32 $0x1, s12  }
0x25: {  	p0 =	sne.s32 s12, $0x4  }
.Ltmp3:
0x26: {  	_ = 	snop;
	(pc) =	sbr.rel @!p0 .LBB2_25-.Ltmp3, $2  }
0x27: {  	_ =	sdelay $0x2  }
0x28: {  	s18 =	sadd.s32 $0xC08000, s18  }
.LBB2_2:
0x29: {  	s0 =	sshll.u32 s12, $0x5  }
0x2a: {  	s0 =	sor.u32 s5, s0  }
0x2b: {  	p0 =	sgt.u32 s0, $0x6F  }
.Ltmp4:
0x2c: {  	_ = 	snop;
	(pc) =	sbr.rel @p0 .LBB2_24-.Ltmp4, $1  }
0x2d: {  	_ =	sdelay $0x3  }
0x2e: {  	s3 =	sshrl.u32 s0, $0x4  }
0x2f: {  	s0 =	simm.s32 $0x0;
	s13 =	smul.u32 $0x3020000, s3  }
0x30: {  	[tilespmem:s0], [sflag:$0x3] =	stream.linear.gather [hbm4b:s7+s0], $0x80, $0x38;
	[tilespmem:$0x14080] =	vst v63  }
0x31: {  	_ =	swait.ge [sflag:s14], $0x80;
	s17 =	sor.u32 s6, s13  }
0x32: {  	[sflag:s14] =	ssyncset.done $0x0;
	s17 =	sshrl.u32 s17, $0x3  }
0x33: {  	s19 =	simm.s32 $0x80;
	[sflag:s14] =	ssyncadd.s32 $0xFFFFFF80;
	s17 =	sadd.s32 s1, s17  }
0x34: {  	[tilespmem:s19], [sflag:$0x1] =	stream.strided.gather [hbm4b:s17+s15], $0x2800, s16, s15, $0x38;
	[tilespmem:$0x14080] =	vst v63  }
0x35: {  	s21 =	simm.s32 $0x2880;
	s17 =	sadd.s32 $0xC800, s17;
	s19 =	sadd.s32 s8, s13  }
0x36: {  	[tilespmem:s21], [sflag:$0x1] =	stream.linear.gather [hbm4b:s17+s0], $0x80, $0x38;
	[tilespmem:$0x14080] =	vst v63  }
0x37: {  	s17 =	sshrl.u32 s19, $0x3  }
0x38: {  	s20 =	simm.s32 $0x2C80;
	s17 =	sadd.s32 s1, s17  }
0x39: {  	[tilespmem:s20], [sflag:$0x1] =	stream.strided.gather [hbm4b:s17+s15], $0x2800, s16, s15, $0x38;
	[tilespmem:$0x14080] =	vst v63  }
0x3a: {  	s21 =	simm.s32 $0x5480;
	s19 =	sadd.s32 s9, s13;
	s17 =	sadd.s32 $0xC800, s17  }
0x3b: {  	[tilespmem:s21], [sflag:$0x1] =	stream.linear.gather [hbm4b:s17+s0], $0x80, $0x38;
	[tilespmem:$0x14080] =	vst v63  }
0x3c: {  	s17 =	sshrl.u32 s19, $0x3  }
0x3d: {  	s20 =	simm.s32 $0x5880;
	s17 =	sadd.s32 s1, s17  }
0x3e: {  	[tilespmem:s20], [sflag:$0x1] =	stream.strided.gather [hbm4b:s17+s15], $0x2800, s16, s15, $0x38;
	[tilespmem:$0x14080] =	vst v63  }
0x3f: {  	s21 =	sadd.s32 s10, s13;
	s17 =	sadd.s32 $0xC800, s17  }
0x40: {  	[tilespmem:s22], [sflag:$0x1] =	stream.linear.gather [hbm4b:s17+s0], $0x80, $0x38;
	[tilespmem:$0x14080] =	vst v63  }
0x41: {  	s17 =	sshrl.u32 s21, $0x3  }
0x42: {  	s13 =	sadd.s32 s11, s13;
	s17 =	sadd.s32 s1, s17  }
0x43: {  	[tilespmem:s23], [sflag:$0x1] =	stream.strided.gather [hbm4b:s17+s15], $0x2800, s16, s15, $0x38;
	[tilespmem:$0x14080] =	vst v63  }
0x44: {  	s13 =	sshrl.u32 s13, $0x3;
	s17 =	sadd.s32 $0xC800, s17  }
0x45: {  	[tilespmem:s24], [sflag:$0x1] =	stream.linear.gather [hbm4b:s17+s0], $0x80, $0x38;
	[tilespmem:$0x14080] =	vst v63  }
.Ltmp5:
0x46: {  	s13 =	sadd.s32 s1, s13;
	(pc) =	sbr.rel .LBB2_4-.Ltmp5, $4  }
0x47: {  	[tilespmem:s25], [sflag:$0x1] =	stream.strided.gather [hbm4b:s13+s15], $0x2800, s16, s15, $0x38;
	[tilespmem:$0x14080] =	vst v63  }
0x48: {  	s13 =	sadd.s32 $0xC800, s13  }
0x49: {  	[tilespmem:s26], [sflag:$0x1] =	stream.linear.gather [hbm4b:s13+s0], $0x80, $0x38;
	[tilespmem:$0x14080] =	vst v63  }
0x4a: {  	s17 =	simm.s32 $0x108C0;
	s13 =	smov.u32 s18  }
.LBB2_21:
0x4b: {  	[tilespmem:s21], [sflag:$0x1] =	stream.strided.gather [hbm4b:s13+s15], $0x2800, s16, s15, $0x38;
	[tilespmem:$0x14080] =	vst v63  }
0x4c: {  	s21 =	sadd.s32 $0xC800, s13  }
0x4d: {  	[tilespmem:s20], [sflag:$0x1] =	stream.linear.gather [hbm4b:s21+s2], $0x80, $0x38;
	[tilespmem:$0x14080] =	vst v63  }
.LBB2_22:
0x4e: {  	v8 =	vld [tilespmem:$0x0];
	_ =	sdelay $0x4  }
0x4f: {  	v8 =	vshll.u32 v8, $0x7  }
0x50: {  	v8 =	vor.u32 v0, v8;
	_ =	sdelay $0x4  }
0x51: {  	v8 =	vld.idx.msk [tilespmem:v8+s19+$0x0], $0xffff;
	_ =	sdelay $0x4  }
0x52: {  	v8 =	vsub.f32 $0.0e+00, v8;
	_ =	sdelay $0x1  }
0x53: {  	v8 =	vmul.f32 $1.442695020e+00, v8;
	_ =	sdelay $0x1  }
0x54: {  	(erf) = vpow2.f32 v8;
	_ =	sdelay $0x8  }
0x55: {  	v8 =	vpop (erf)  }
0x56: {  	v8 =	vadd.f32 $1.000000000e+00, v8;
	_ =	sdelay $0x1  }
0x57: {  	(erf) = vrcp.f32 v8;
	_ =	sdelay $0x8  }
0x58: {  	v8 =	vpop (erf)  }
0x59: {  	[tilespmem:s17+$0xFFFFFFC0] =	vst v8  }
0x5a: {  	v8 =	vld [tilespmem:$0x10];
	_ =	sdelay $0x4  }
0x5b: {  	v8 =	vshll.u32 v8, $0x7  }
0x5c: {  	v8 =	vor.u32 v1, v8;
	_ =	sdelay $0x4  }
0x5d: {  	v8 =	vld.idx.msk [tilespmem:v8+s19+$0x0], $0xffff;
	_ =	sdelay $0x4  }
0x5e: {  	v8 =	vsub.f32 $0.0e+00, v8;
	_ =	sdelay $0x1  }
0x5f: {  	v8 =	vmul.f32 $1.442695020e+00, v8;
	_ =	sdelay $0x1  }
0x60: {  	(erf) = vpow2.f32 v8;
	_ =	sdelay $0x8  }
0x61: {  	v8 =	vpop (erf)  }
0x62: {  	v8 =	vadd.f32 $1.000000000e+00, v8;
	_ =	sdelay $0x1  }
0x63: {  	(erf) = vrcp.f32 v8;
	_ =	sdelay $0x8  }
0x64: {  	v8 =	vpop (erf)  }
0x65: {  	[tilespmem:s17+$0xFFFFFFD0] =	vst v8  }
0x66: {  	v8 =	vld [tilespmem:$0x20];
	_ =	sdelay $0x4  }
0x67: {  	v8 =	vshll.u32 v8, $0x7  }
0x68: {  	v8 =	vor.u32 v2, v8;
	_ =	sdelay $0x4  }
0x69: {  	v8 =	vld.idx.msk [tilespmem:v8+s19+$0x0], $0xffff;
	_ =	sdelay $0x4  }
0x6a: {  	v8 =	vsub.f32 $0.0e+00, v8;
	_ =	sdelay $0x1  }
0x6b: {  	v8 =	vmul.f32 $1.442695020e+00, v8;
	_ =	sdelay $0x1  }
0x6c: {  	(erf) = vpow2.f32 v8;
	_ =	sdelay $0x8  }
0x6d: {  	v8 =	vpop (erf)  }
0x6e: {  	v8 =	vadd.f32 $1.000000000e+00, v8;
	_ =	sdelay $0x1  }
0x6f: {  	(erf) = vrcp.f32 v8;
	_ =	sdelay $0x8  }
0x70: {  	v8 =	vpop (erf)  }
0x71: {  	[tilespmem:s17+$0xFFFFFFE0] =	vst v8  }
0x72: {  	v8 =	vld [tilespmem:$0x30];
	_ =	sdelay $0x4  }
0x73: {  	v8 =	vshll.u32 v8, $0x7  }
0x74: {  	v8 =	vor.u32 v3, v8;
	_ =	sdelay $0x4  }
0x75: {  	v8 =	vld.idx.msk [tilespmem:v8+s19+$0x0], $0xffff;
	_ =	sdelay $0x4  }
0x76: {  	v8 =	vsub.f32 $0.0e+00, v8;
	_ =	sdelay $0x1  }
0x77: {  	v8 =	vmul.f32 $1.442695020e+00, v8;
	_ =	sdelay $0x1  }
0x78: {  	(erf) = vpow2.f32 v8;
	_ =	sdelay $0x8  }
0x79: {  	v8 =	vpop (erf)  }
0x7a: {  	v8 =	vadd.f32 $1.000000000e+00, v8;
	_ =	sdelay $0x1  }
0x7b: {  	(erf) = vrcp.f32 v8;
	_ =	sdelay $0x8  }
0x7c: {  	v8 =	vpop (erf)  }
0x7d: {  	[tilespmem:s17+$0xFFFFFFF0] =	vst v8  }
0x7e: {  	v8 =	vld [tilespmem:$0x40];
	_ =	sdelay $0x4  }
0x7f: {  	v8 =	vshll.u32 v8, $0x7  }
0x80: {  	v8 =	vor.u32 v4, v8;
	_ =	sdelay $0x4  }
0x81: {  	v8 =	vld.idx.msk [tilespmem:v8+s19+$0x0], $0xffff;
	_ =	sdelay $0x4  }
0x82: {  	v8 =	vsub.f32 $0.0e+00, v8;
	_ =	sdelay $0x1  }
0x83: {  	v8 =	vmul.f32 $1.442695020e+00, v8;
	_ =	sdelay $0x1  }
0x84: {  	(erf) = vpow2.f32 v8;
	_ =	sdelay $0x8  }
0x85: {  	v8 =	vpop (erf)  }
0x86: {  	v8 =	vadd.f32 $1.000000000e+00, v8;
	_ =	sdelay $0x1  }
0x87: {  	(erf) = vrcp.f32 v8;
	_ =	sdelay $0x8  }
0x88: {  	v8 =	vpop (erf)  }
0x89: {  	[tilespmem:s17+$0x0] =	vst v8  }
0x8a: {  	v8 =	vld [tilespmem:$0x50];
	_ =	sdelay $0x4  }
0x8b: {  	v8 =	vshll.u32 v8, $0x7  }
0x8c: {  	v8 =	vor.u32 v5, v8;
	_ =	sdelay $0x4  }
0x8d: {  	v8 =	vld.idx.msk [tilespmem:v8+s19+$0x0], $0xffff;
	_ =	sdelay $0x4  }
0x8e: {  	v8 =	vsub.f32 $0.0e+00, v8;
	_ =	sdelay $0x1  }
0x8f: {  	v8 =	vmul.f32 $1.442695020e+00, v8;
	_ =	sdelay $0x1  }
0x90: {  	(erf) = vpow2.f32 v8;
	_ =	sdelay $0x8  }
0x91: {  	v8 =	vpop (erf)  }
0x92: {  	v8 =	vadd.f32 $1.000000000e+00, v8;
	_ =	sdelay $0x1  }
0x93: {  	(erf) = vrcp.f32 v8;
	_ =	sdelay $0x8  }
0x94: {  	v8 =	vpop (erf)  }
0x95: {  	[tilespmem:s17+$0x10] =	vst v8  }
0x96: {  	v8 =	vld [tilespmem:$0x60];
	_ =	sdelay $0x4  }
0x97: {  	v8 =	vshll.u32 v8, $0x7  }
0x98: {  	v8 =	vor.u32 v6, v8;
	_ =	sdelay $0x4  }
0x99: {  	v8 =	vld.idx.msk [tilespmem:v8+s19+$0x0], $0xffff;
	_ =	sdelay $0x4  }
0x9a: {  	v8 =	vsub.f32 $0.0e+00, v8;
	_ =	sdelay $0x1  }
0x9b: {  	v8 =	vmul.f32 $1.442695020e+00, v8;
	_ =	sdelay $0x1  }
0x9c: {  	(erf) = vpow2.f32 v8;
	_ =	sdelay $0x8  }
0x9d: {  	v8 =	vpop (erf)  }
0x9e: {  	v8 =	vadd.f32 $1.000000000e+00, v8;
	_ =	sdelay $0x1  }
0x9f: {  	(erf) = vrcp.f32 v8;
	_ =	sdelay $0x8  }
0xa0: {  	v8 =	vpop (erf)  }
0xa1: {  	[tilespmem:s17+$0x20] =	vst v8  }
0xa2: {  	v8 =	vld [tilespmem:$0x70];
	_ =	sdelay $0x4  }
0xa3: {  	v8 =	vshll.u32 v8, $0x7  }
0xa4: {  	v8 =	vor.u32 v7, v8;
	_ =	sdelay $0x4  }
0xa5: {  	v8 =	vld.idx.msk [tilespmem:v8+s19+$0x0], $0xffff;
	_ =	sdelay $0x4  }
0xa6: {  	v8 =	vsub.f32 $0.0e+00, v8;
	_ =	sdelay $0x1  }
0xa7: {  	v8 =	vmul.f32 $1.442695020e+00, v8;
	_ =	sdelay $0x1  }
0xa8: {  	(erf) = vpow2.f32 v8;
	_ =	sdelay $0x8  }
0xa9: {  	v8 =	vpop (erf)  }
0xaa: {  	v8 =	vadd.f32 $1.000000000e+00, v8;
	_ =	sdelay $0x1  }
0xab: {  	(erf) = vrcp.f32 v8;
	_ =	sdelay $0x3  }
0xac: {  	s0 =	sadd.s32 $0x1, s0  }
0xad: {  	p0 =	sne.s32 s0, $0x70  }
.Ltmp6:
0xae: {  	_ = 	snop;
	(pc) =	sbr.rel @!p0 .LBB2_23-.Ltmp6, $3  }
0xaf: {  	_ =	sdelay $0x1  }
0xb0: {  	v8 =	vpop (erf)  }
0xb1: {  	s13 =	sadd.s32 $0xDC00, s13;
	[tilespmem:s17+$0x30] =	vst v8;
	s17 =	sadd.s32 $0x80, s17  }
.LBB2_4:
0xb2: {  	s19 =	smul.u32 $0xAB, s0;
	_ =	sdelay $0x1  }
0xb3: {  	s19 =	sshrl.u32 s19, $0xA  }
0xb4: {  	s19 =	sand.u32 $0x3F, s19  }
0xb5: {  	s19 =	smul.u32 $0x6, s19;
	_ =	sdelay $0x1  }
0xb6: {  	s19 =	ssub.s32 s0, s19  }
0xb7: {  	s19 =	sand.u32 $0xFF, s19  }
0xb8: {  	p0 =	sgt.s32 s19, $0x2  }
.Ltmp7:
0xb9: {  	_ = 	snop;
	(pc) =	sbr.rel @p0 .LBB2_9-.Ltmp7, $4  }
0xba: {  	_ = 	snop  }
0xbb: {  	_ =	swait.ge [sflag:s28], $0x2880  }
0xbc: {  	[sflag:s28] =	ssyncset.done $0x0  }
0xbd: {  	[sflag:s28] =	ssyncadd.s32 $0xFFFFD780  }
0xbe: {  	p0 =	seq.s32 s19, $0x0  }
.Ltmp8:
0xbf: {  	_ = 	snop;
	(pc) =	sbr.rel @p0 .LBB2_13-.Ltmp8, $1  }
0xc0: {  	_ =	sdelay $0x3  }
0xc1: {  	p0 =	seq.s32 s19, $0x1  }
.Ltmp9:
0xc2: {  	_ = 	snop;
	(pc) =	sbr.rel @!p0 .LBB2_15-.Ltmp9, $1  }
0xc3: {  	_ =	sdelay $0x3  }
0xc4: {  	p0 =	slt.u32 s0, $0x6B  }
.Ltmp10:
0xc5: {  	_ = 	snop;
	(pc) =	sbr.rel @!p0 .LBB2_22-.Ltmp10, $2  }
0xc6: {  	_ =	sdelay $0x2  }
0xc7: {  	s19 =	simm.s32 $0x2C80  }
.Ltmp11:
0xc8: {  	(pc) =	sbr.rel .LBB2_21-.Ltmp11, $2  }
0xc9: {  	_ =	sdelay $0x2  }
0xca: {  	s20 =	simm.s32 $0x2880;
	s21 =	simm.s32 $0x80  }
.LBB2_9:
0xcb: {  	p1 =	seq.s32 s19, $0x3  }
.Ltmp12:
0xcc: {  	_ = 	snop;
	(pc) =	sbr.rel @p1 .LBB2_17-.Ltmp12, $2  }
0xcd: {  	_ =	sdelay $0x2  }
0xce: {  	p0 =	slt.u32 s0, $0x6B  }
0xcf: {  	p1 =	seq.s32 s19, $0x4  }
.Ltmp13:
0xd0: {  	_ = 	snop;
	(pc) =	sbr.rel @!p1 .LBB2_19-.Ltmp13, $1  }
0xd1: {  	_ =	sdelay $0x3  }
.Ltmp14:
0xd2: {  	(pc) =	sbr.rel @!p0 .LBB2_22-.Ltmp14, $2  }
0xd3: {  	_ =	sdelay $0x2  }
0xd4: {  	s19 =	simm.s32 $0xB080  }
.Ltmp15:
0xd5: {  	(pc) =	sbr.rel .LBB2_21-.Ltmp15, $2  }
0xd6: {  	_ =	sdelay $0x2  }
0xd7: {  	s20 =	simm.s32 $0xAC80;
	s21 =	simm.s32 $0x8480  }
.LBB2_13:
0xd8: {  	p0 =	slt.u32 s0, $0x6B  }
.Ltmp16:
0xd9: {  	_ = 	snop;
	(pc) =	sbr.rel @!p0 .LBB2_22-.Ltmp16, $2  }
0xda: {  	_ =	sdelay $0x2  }
0xdb: {  	s19 =	simm.s32 $0x80  }
.Ltmp17:
0xdc: {  	(pc) =	sbr.rel .LBB2_21-.Ltmp17, $2  }
0xdd: {  	_ =	sdelay $0x2  }
0xde: {  	s20 =	simm.s32 $0x10480;
	s21 =	simm.s32 $0xDC80  }
.LBB2_17:
.Ltmp18:
0xdf: {  	(pc) =	sbr.rel @!p0 .LBB2_22-.Ltmp18, $2  }
0xe0: {  	_ =	sdelay $0x2  }
0xe1: {  	s19 =	simm.s32 $0x8480  }
.Ltmp19:
0xe2: {  	(pc) =	sbr.rel .LBB2_21-.Ltmp19, $2  }
0xe3: {  	_ =	sdelay $0x2  }
0xe4: {  	s20 =	simm.s32 $0x8080;
	s21 =	simm.s32 $0x5880  }
.LBB2_15:
0xe5: {  	p0 =	slt.u32 s0, $0x6B  }
.Ltmp20:
0xe6: {  	_ = 	snop;
	(pc) =	sbr.rel @!p0 .LBB2_22-.Ltmp20, $2  }
0xe7: {  	_ =	sdelay $0x2  }
0xe8: {  	s19 =	simm.s32 $0x5880  }
.Ltmp21:
0xe9: {  	(pc) =	sbr.rel .LBB2_21-.Ltmp21, $2  }
0xea: {  	_ =	sdelay $0x2  }
0xeb: {  	s20 =	simm.s32 $0x5480;
	s21 =	simm.s32 $0x2C80  }
.LBB2_19:
.Ltmp22:
0xec: {  	(pc) =	sbr.rel @!p0 .LBB2_22-.Ltmp22, $2  }
0xed: {  	_ =	sdelay $0x2  }
0xee: {  	s19 =	simm.s32 $0xDC80  }
.Ltmp23:
0xef: {  	(pc) =	sbr.rel .LBB2_21-.Ltmp23, $2  }
0xf0: {  	_ =	sdelay $0x2  }
0xf1: {  	s20 =	simm.s32 $0xD880;
	s21 =	simm.s32 $0xB080  }
.LBB2_26:
0xf2: {  	_ =	sfence.sel $0x180000  }
0xf3: {  	[bflag:$0x0] =	sbarrier.arrive $0xFFFF  }
0xf4: {  	_ =	strace $0x90000047  }
0xf5: {  	s0 =	stileid.u32;
	[bflag:$0x2] =	sbarrier.arrive $0xFFFF  }
0xf6: {  	p0 =	sne.s32 s0, $0x0;
	s0 =	rddreg [dreg:$0x3]  }
0xf7: {  	s0 =	sadd.s32 @!p0 $0x100000, s0  }
0xf8: {  	[sflag:s0] =	ssyncadd.tile.s32 @!p0 $0x1;
	_ =	shalt  }
.Lfunc_end2:
_tile_overlayer_lowered:
.L_overlay_start_2:
0xf9: {  	(tag) =	ssettag $0x2  }
0xfa: {  	s0 =	rddreg [dreg:$0x0];
	s2 =	stileid.u32  }
0xfb: {  	s1 =	rddreg [dreg:$0x1];
	p0 =	sne.s32 s2, $0x0  }
0xfc: {  	s3 =	rddreg [dreg:$0x2];
	[bflag:$0x3] =	sbarrier.arrive $0xFFFF;
	s2 =	simm.s32 @!p0 $0x1C03  }
0xfd: {  	[timem:s3], [sflag:s2] =	dma.local @!p0 [hbm:s0], s1  }
0xfe: {  	s0 =	simm.s32 @!p0 $0x3  }
0xff: {  	_ =	swait.ge @!p0 [sflag:s0], s1  }
0x100: {  	s1 =	ssub.s32 @!p0 $0x0, s1;
	[sflag:s0] =	ssyncset.done @!p0 $0x0  }
0x101: {  	[sflag:s0] =	ssyncadd.s32 @!p0 s1  }
0x102: {  	[bflag:$0x3] =	sbarrier.arrive $0xFFFF  }
0x103: {  	_ =	shalt  }

</sc_bundles>
